<compile_context>
chip_gen: v7x
topology: tpu7x:2x2x1
jax: 0.10.2.dev20260603
libtpu: 0.0.44.dev20260713+nightly
codegen_flags: <defaults>
</compile_context>

<pallas_src>
import functools
import jax
import jax.numpy as jnp
from jax import lax
from jax.experimental import pallas as pl
from jax.experimental.pallas import tpu as pltpu
from jax.experimental.pallas import tpu_sc as plsc

_B = 16384
_D = 64
_NW = 32
_BPW = _B // _NW
_NBUF = 8


def _make_kernel():
    mesh = plsc.VectorSubcoreMesh(core_axis_name="c", subcore_axis_name="s")

    @functools.partial(
        pl.kernel,
        mesh=mesh,
        out_type=jax.ShapeDtypeStruct((_NW, 128), jnp.float32),
        compiler_params=pltpu.CompilerParams(needs_layout_passes=False),
        scratch_types=[
            pltpu.VMEM((_BPW,), jnp.int32),
            pltpu.VMEM((_BPW,), jnp.int32),
            pltpu.VMEM((_BPW,), jnp.int32),
            pltpu.VMEM((_BPW * _D,), jnp.float32),
            pltpu.VMEM((_NBUF, _D, 128), jnp.float32),
            pltpu.VMEM((128,), jnp.float32),
            pltpu.SemaphoreType.DMA((_NBUF,)),
        ],
    )
    def k(feat_hbm, pa_hbm, pe1_hbm, pe2_hbm, tableT_hbm, out_hbm,
          pa_v, pe1_v, pe2_v, feat_v, blk_v, acc_v, sems):
        wid = lax.axis_index("s") * 2 + lax.axis_index("c")
        base = wid * _BPW
        pltpu.sync_copy(pa_hbm.at[pl.ds(base, _BPW)], pa_v)
        pltpu.sync_copy(pe1_hbm.at[pl.ds(base, _BPW)], pe1_v)
        pltpu.sync_copy(pe2_hbm.at[pl.ds(base, _BPW)], pe2_v)
        pltpu.sync_copy(feat_hbm.at[pl.ds(base * _D, _BPW * _D)], feat_v)

        lane = lax.iota(jnp.int32, 16)
        zero = jnp.zeros((16,), jnp.float32)

        def extract(ref, i):
            v16 = ref[pl.ds((i >> 4) * 16, 16)]
            return jnp.sum(jnp.where(lane == (i & 15), v16, 0))

        def enqueue(e):
            cb = (e & 0x3FFF) - 1
            slot = e >> 14
            pltpu.async_copy(
                tableT_hbm.at[:, pl.ds(pl.multiple_of(cb * 128, 128), 128)],
                blk_v.at[slot],
                sems.at[slot],
            )

        def prologue(i, carry):
            e1 = extract(pe1_v, i)

            @pl.when(e1 > 0)
            def _():
                enqueue(e1)

            return carry

        lax.fori_loop(0, _NBUF - 1, prologue, 0)

        def body(i, accs):
            a = extract(pa_v, i)
            e2 = extract(pe2_v, i)
            slu = (a >> 21) & 7

            @pl.when(e2 > 0)
            def _():
                enqueue(e2)

            @pl.when(((a >> 20) & 1) == 1)
            def _():
                pltpu.make_async_copy(
                    tableT_hbm.at[:, pl.ds(0, 128)],
                    blk_v.at[slu],
                    sems.at[slu],
                ).wait()

            o16 = jnp.broadcast_to(a & 127, (16,))
            fb = i * _D
            accs4 = list(accs)
            for kk in range(4):
                jvec = kk * 16 + lane
                cv = plsc.load_gather(blk_v.at[slu], [jvec, o16])
                d = feat_v[pl.ds(fb + kk * 16, 16)] - cv
                accs4[kk] = accs4[kk] + d * d
            return tuple(accs4)

        a0, a1, a2, a3 = lax.fori_loop(0, _BPW, body, (zero, zero, zero, zero))
        acc_v[pl.ds(0, 16)] = (a0 + a1) + (a2 + a3)
        for j in range(1, 8):
            acc_v[pl.ds(j * 16, 16)] = zero
        pltpu.sync_copy(acc_v, out_hbm.at[wid])

    return k


_sc_kernel = _make_kernel()


def _schedule(y_sorted_2d):
    cb = y_sorted_2d >> 7
    prev = jnp.concatenate([cb[:, :1] - 1, cb[:, :-1]], axis=1)
    nb = (cb != prev).astype(jnp.int32)
    bidx = jnp.cumsum(nb, axis=1) - 1
    slot = bidx % _NBUF
    pk = (cb + 1) + (slot << 14)
    cols = jnp.arange(_BPW, dtype=jnp.int32)[None, :]
    pe1 = jnp.where((cols < _NBUF - 1) & (nb == 1), pk, 0)
    sh = _NBUF - 1
    pe2 = jnp.concatenate(
        [jnp.where(nb[:, sh:] == 1, pk[:, sh:], 0),
         jnp.zeros((_NW, sh), jnp.int32)], axis=1)
    pa = y_sorted_2d + (nb << 20) + (slot << 21)
    return pa, pe1, pe2


def kernel(feat, labels, centers):
    y = labels.astype(jnp.int32)
    order = jnp.argsort(y)
    ys = y[order].reshape(_NW, _BPW)
    featp = feat[order]
    pa, pe1, pe2 = _schedule(ys)
    partials = _sc_kernel(
        featp.reshape(-1), pa.reshape(-1), pe1.reshape(-1),
        pe2.reshape(-1), centers.T)
    return jnp.sum(partials) * (0.5 / _B)

# --- scband reference (transcript-rebuilt; emitter-appended) ---
"""Pipeline reference for scband-center-loss-23003844837611 (READ-ONLY COPY).

The authoritative reference and input builder live on the scoring server;
editing this copy changes nothing except your own understanding.
"""

import jax, jax.numpy as jnp
import numpy as np

NUM_CLASSES = 1000000
FEAT_DIM = 64
BATCH = 16384


def setup_inputs(seed: int = 0) -> dict:
    key = jax.random.key(seed)
    k_feat, k_labels, k_centers = jax.random.split(key, 3)
    feat = jax.random.normal(k_feat, (BATCH, FEAT_DIM), dtype=jnp.float32)
    labels = jax.random.randint(k_labels, (BATCH,), 0, NUM_CLASSES, dtype=jnp.int64 if jax.config.jax_enable_x64 else jnp.int32)
    centers = jax.random.normal(k_centers, (NUM_CLASSES, FEAT_DIM), dtype=jnp.float32)
    return {"feat": feat, "labels": labels, "centers": centers}


def reference(feat, labels, centers):
    # c = self.centers[labels]  (embedding-style gather)
    c = jnp.take(centers, labels, axis=0)
    # L_c = (1/2) * mean_i ||x_i - c_{y_i}||^2
    loss = 0.5 * jnp.mean(jnp.sum((feat - c) ** 2, axis=1))
    return loss

if __name__ == "__main__":
    import jax
    _d = setup_inputs()
    print(jax.jit(kernel)(*tuple(_d.values())))

</pallas_src>

<mosaic_0001>
#map = affine_map<(d0, d1) -> (0)>
#map1 = affine_map<(d0, d1) -> (0, 0)>
module attributes {stable_mosaic.version = 14 : i64} {
  func.func @k(%arg0: i32, %arg1: i32, %arg2: memref<1048576xf32, #tpu.memory_space<hbm>>, %arg3: memref<16384xi32, #tpu.memory_space<hbm>>, %arg4: memref<16384xi32, #tpu.memory_space<hbm>>, %arg5: memref<16384xi32, #tpu.memory_space<hbm>>, %arg6: memref<64x1000000xf32, #tpu.memory_space<hbm>>, %arg7: memref<32x128xf32, #tpu.memory_space<hbm>>, %arg8: memref<512xi32, #tpu.memory_space<vmem>>, %arg9: memref<512xi32, #tpu.memory_space<vmem>>, %arg10: memref<512xi32, #tpu.memory_space<vmem>>, %arg11: memref<32768xf32, #tpu.memory_space<vmem>>, %arg12: memref<8x64x128xf32, #tpu.memory_space<vmem>>, %arg13: memref<128xf32, #tpu.memory_space<vmem>>, %arg14: memref<8x!tpu.dma_semaphore, #tpu.memory_space<semaphore_mem>>) attributes {dimension_semantics = [#tpu.dimension_semantics<core_parallel>, #tpu.dimension_semantics<subcore_parallel>], iteration_bounds = array<i64: 2, 16>, scalar_prefetch = 0 : i64, scratch_operands = 7 : i64, tpu.core_type = #tpu.core_type<sc_vector_subcore>, window_params = [{transform_indices = #map}, {transform_indices = #map}, {transform_indices = #map}, {transform_indices = #map}, {transform_indices = #map1}, {transform_indices = #map1}]} {
    %mul3A = arith.constant 2 : i32
    %mul3A_0 = arith.muli %arg1, %mul3A : i32
    %add3A = arith.addi %mul3A_0, %arg0 : i32
    %mul3A_1 = arith.constant 512 : i32
    %mul3A_2 = arith.muli %add3A, %mul3A_1 : i32
    "tpu.region"() ({
      %run_scoped3A = tpu.sem_alloc : memref<!tpu.dma_semaphore, #tpu.memory_space<semaphore_mem>>
      %dma_start3A = tpu.memref_slice %arg3[%mul3A_2] : memref<16384xi32, #tpu.memory_space<hbm>> -> memref<512xi32, #tpu.memory_space<hbm>>
      %dma_start3A_35 = tpu.memref_slice %arg3[%mul3A_2] : memref<16384xi32, #tpu.memory_space<hbm>> -> memref<512xi32, #tpu.memory_space<hbm>>
      tpu.enqueue_dma source(%dma_start3A_35 : memref<512xi32, #tpu.memory_space<hbm>>) target(%arg8 : memref<512xi32, #tpu.memory_space<vmem>>) target_semaphore(%run_scoped3A : memref<!tpu.dma_semaphore, #tpu.memory_space<semaphore_mem>>)
      %dma_wait3A = tpu.memref_slice %arg3[%mul3A_2] : memref<16384xi32, #tpu.memory_space<hbm>> -> memref<512xi32, #tpu.memory_space<hbm>>
      %dma_wait3A_36 = tpu.memref_slice %arg3[%mul3A_2] : memref<16384xi32, #tpu.memory_space<hbm>> -> memref<512xi32, #tpu.memory_space<hbm>>
      tpu.wait_dma2 semaphore(%run_scoped3A : memref<!tpu.dma_semaphore, #tpu.memory_space<semaphore_mem>>) src(%dma_wait3A_36 : memref<512xi32, #tpu.memory_space<hbm>>) dst(%arg8 : memref<512xi32, #tpu.memory_space<vmem>>)
      tpu.yield
    }) : () -> ()
    "tpu.region"() ({
      %run_scoped3A = tpu.sem_alloc : memref<!tpu.dma_semaphore, #tpu.memory_space<semaphore_mem>>
      %dma_start3A = tpu.memref_slice %arg4[%mul3A_2] : memref<16384xi32, #tpu.memory_space<hbm>> -> memref<512xi32, #tpu.memory_space<hbm>>
      %dma_start3A_35 = tpu.memref_slice %arg4[%mul3A_2] : memref<16384xi32, #tpu.memory_space<hbm>> -> memref<512xi32, #tpu.memory_space<hbm>>
      tpu.enqueue_dma source(%dma_start3A_35 : memref<512xi32, #tpu.memory_space<hbm>>) target(%arg9 : memref<512xi32, #tpu.memory_space<vmem>>) target_semaphore(%run_scoped3A : memref<!tpu.dma_semaphore, #tpu.memory_space<semaphore_mem>>)
      %dma_wait3A = tpu.memref_slice %arg4[%mul3A_2] : memref<16384xi32, #tpu.memory_space<hbm>> -> memref<512xi32, #tpu.memory_space<hbm>>
      %dma_wait3A_36 = tpu.memref_slice %arg4[%mul3A_2] : memref<16384xi32, #tpu.memory_space<hbm>> -> memref<512xi32, #tpu.memory_space<hbm>>
      tpu.wait_dma2 semaphore(%run_scoped3A : memref<!tpu.dma_semaphore, #tpu.memory_space<semaphore_mem>>) src(%dma_wait3A_36 : memref<512xi32, #tpu.memory_space<hbm>>) dst(%arg9 : memref<512xi32, #tpu.memory_space<vmem>>)
      tpu.yield
    }) : () -> ()
    "tpu.region"() ({
      %run_scoped3A = tpu.sem_alloc : memref<!tpu.dma_semaphore, #tpu.memory_space<semaphore_mem>>
      %dma_start3A = tpu.memref_slice %arg5[%mul3A_2] : memref<16384xi32, #tpu.memory_space<hbm>> -> memref<512xi32, #tpu.memory_space<hbm>>
      %dma_start3A_35 = tpu.memref_slice %arg5[%mul3A_2] : memref<16384xi32, #tpu.memory_space<hbm>> -> memref<512xi32, #tpu.memory_space<hbm>>
      tpu.enqueue_dma source(%dma_start3A_35 : memref<512xi32, #tpu.memory_space<hbm>>) target(%arg10 : memref<512xi32, #tpu.memory_space<vmem>>) target_semaphore(%run_scoped3A : memref<!tpu.dma_semaphore, #tpu.memory_space<semaphore_mem>>)
      %dma_wait3A = tpu.memref_slice %arg5[%mul3A_2] : memref<16384xi32, #tpu.memory_space<hbm>> -> memref<512xi32, #tpu.memory_space<hbm>>
      %dma_wait3A_36 = tpu.memref_slice %arg5[%mul3A_2] : memref<16384xi32, #tpu.memory_space<hbm>> -> memref<512xi32, #tpu.memory_space<hbm>>
      tpu.wait_dma2 semaphore(%run_scoped3A : memref<!tpu.dma_semaphore, #tpu.memory_space<semaphore_mem>>) src(%dma_wait3A_36 : memref<512xi32, #tpu.memory_space<hbm>>) dst(%arg10 : memref<512xi32, #tpu.memory_space<vmem>>)
      tpu.yield
    }) : () -> ()
    %mul3A_3 = arith.constant 64 : i32
    %mul3A_4 = arith.muli %mul3A_2, %mul3A_3 : i32
    "tpu.region"() ({
      %run_scoped3A = tpu.sem_alloc : memref<!tpu.dma_semaphore, #tpu.memory_space<semaphore_mem>>
      %dma_start3A = tpu.memref_slice %arg2[%mul3A_4] : memref<1048576xf32, #tpu.memory_space<hbm>> -> memref<32768xf32, #tpu.memory_space<hbm>>
      %dma_start3A_35 = tpu.memref_slice %arg2[%mul3A_4] : memref<1048576xf32, #tpu.memory_space<hbm>> -> memref<32768xf32, #tpu.memory_space<hbm>>
      tpu.enqueue_dma source(%dma_start3A_35 : memref<32768xf32, #tpu.memory_space<hbm>>) target(%arg11 : memref<32768xf32, #tpu.memory_space<vmem>>) target_semaphore(%run_scoped3A : memref<!tpu.dma_semaphore, #tpu.memory_space<semaphore_mem>>)
      %dma_wait3A = tpu.memref_slice %arg2[%mul3A_4] : memref<1048576xf32, #tpu.memory_space<hbm>> -> memref<32768xf32, #tpu.memory_space<hbm>>
      %dma_wait3A_36 = tpu.memref_slice %arg2[%mul3A_4] : memref<1048576xf32, #tpu.memory_space<hbm>> -> memref<32768xf32, #tpu.memory_space<hbm>>
      tpu.wait_dma2 semaphore(%run_scoped3A : memref<!tpu.dma_semaphore, #tpu.memory_space<semaphore_mem>>) src(%dma_wait3A_36 : memref<32768xf32, #tpu.memory_space<hbm>>) dst(%arg11 : memref<32768xf32, #tpu.memory_space<vmem>>)
      tpu.yield
    }) : () -> ()
    %iota3A = tpu.iota {dimensions = array<i32: 0>} : vector<16xi32>
    %broadcast_in_dim3A = arith.constant 0.000000e+00 : f32
    %broadcast_in_dim3A_5 = vector.broadcast %broadcast_in_dim3A : f32 to vector<16xf32>
    %scan3A = arith.constant 0 : i32
    %scan3A_6 = arith.constant 0 : i32
    %scan3A_7 = arith.constant 7 : i32
    %scan3A_8 = arith.addi %scan3A_6, %scan3A_7 : i32
    %scan3A_9 = arith.constant 1 : i32
    scf.for %scan3A_35 = %scan3A_6 to %scan3A_8 step %scan3A_9  : i32 {
      %shift_right_arithmetic3A = arith.constant 4 : i32
      %shift_right_arithmetic3A_36 = arith.shrsi %scan3A_35, %shift_right_arithmetic3A : i32
      %mul3A_37 = arith.constant 16 : i32
      %mul3A_38 = arith.muli %shift_right_arithmetic3A_36, %mul3A_37 : i32
      %get3A = arith.index_cast %mul3A_38 : i32 to index
      %get3A_39 = tpu.vector_load %arg9[%get3A] {strides = array<i32>} : memref<512xi32, #tpu.memory_space<vmem>>, vector<16xi32>,
      %and3A = arith.constant 15 : i32
      %and3A_40 = arith.andi %scan3A_35, %and3A : i32
      %eq3A = vector.broadcast %and3A_40 : i32 to vector<16xi32>
      %eq3A_41 = arith.cmpi eq, %iota3A, %eq3A : vector<16xi32>
      %jit3A = arith.constant 0 : i32
      %broadcast_in_dim3A_42 = vector.broadcast %jit3A : i32 to vector<16xi32>
      %select_n3A = arith.select %eq3A_41, %get3A_39, %broadcast_in_dim3A_42 : vector<16xi1>, vector<16xi32>
      %reduce_sum3A = arith.constant true
      %reduce_sum3A_43 = vector.broadcast %reduce_sum3A : i1 to vector<16xi1>
      %reduce_sum3A_44 = tpu.scan <sum>, %select_n3A masked %reduce_sum3A_43 : vector<16xi32>, vector<16xi1> -> vector<16xi32>
      %reduce_sum3A_45 = vector.extract %reduce_sum3A_44[15] : i32 from vector<16xi32>
      %gt3A = arith.constant 0 : i32
      %gt3A_46 = arith.cmpi sgt, %reduce_sum3A_45, %gt3A : i32
      %convert_element_type3A = arith.extui %gt3A_46 : i1 to i32
      %cond3A = arith.constant 0 : i32
      %cond3A_47 = arith.cmpi ne, %convert_element_type3A, %cond3A : i32
      scf.if %cond3A_47 {
        %and3A_48 = arith.constant 16383 : i32
        %and3A_49 = arith.andi %reduce_sum3A_45, %and3A_48 : i32
        %sub3A = arith.constant 1 : i32
        %sub3A_50 = arith.subi %and3A_49, %sub3A : i32
        %shift_right_arithmetic3A_51 = arith.constant 14 : i32
        %shift_right_arithmetic3A_52 = arith.shrsi %reduce_sum3A_45, %shift_right_arithmetic3A_51 : i32
        %mul3A_53 = arith.constant 128 : i32
        %mul3A_54 = arith.muli %sub3A_50, %mul3A_53 : i32
        %multiple_of3A = tpu.assume_multiple %mul3A_54, 128 : i32
        %dma_start3A = arith.constant 0 : i32
        %dma_start3A_55 = arith.constant 0 : i32
        %dma_start3A_56 = tpu.memref_slice %arg12[%shift_right_arithmetic3A_52, %dma_start3A, %dma_start3A_55] : memref<8x64x128xf32, #tpu.memory_space<vmem>> -> memref<1x64x128xf32, #tpu.memory_space<vmem>>
        %dma_start3A_57 = tpu.memref_squeeze %dma_start3A_56 : memref<1x64x128xf32, #tpu.memory_space<vmem>> -> memref<64x128xf32, #tpu.memory_space<vmem>>
        %dma_start3A_58 = arith.constant 0 : i32
        %dma_start3A_59 = tpu.memref_slice %arg6[%dma_start3A_58, %multiple_of3A] : memref<64x1000000xf32, #tpu.memory_space<hbm>> -> memref<64x128xf32, #tpu.memory_space<hbm>>
        %dma_start3A_60 = tpu.memref_slice %arg14[%shift_right_arithmetic3A_52] : memref<8x!tpu.dma_semaphore, #tpu.memory_space<semaphore_mem>> -> memref<1x!tpu.dma_semaphore, #tpu.memory_space<semaphore_mem>>
        %dma_start3A_61 = tpu.memref_squeeze %dma_start3A_60 : memref<1x!tpu.dma_semaphore, #tpu.memory_space<semaphore_mem>> -> memref<!tpu.dma_semaphore, #tpu.memory_space<semaphore_mem>>
        %dma_start3A_62 = arith.constant 0 : i32
        %dma_start3A_63 = arith.constant 0 : i32
        %dma_start3A_64 = tpu.memref_slice %arg12[%shift_right_arithmetic3A_52, %dma_start3A_62, %dma_start3A_63] : memref<8x64x128xf32, #tpu.memory_space<vmem>> -> memref<1x64x128xf32, #tpu.memory_space<vmem>>
        %dma_start3A_65 = tpu.memref_squeeze %dma_start3A_64 : memref<1x64x128xf32, #tpu.memory_space<vmem>> -> memref<64x128xf32, #tpu.memory_space<vmem>>
        %dma_start3A_66 = arith.constant 0 : i32
        %dma_start3A_67 = tpu.memref_slice %arg6[%dma_start3A_66, %multiple_of3A] : memref<64x1000000xf32, #tpu.memory_space<hbm>> -> memref<64x128xf32, #tpu.memory_space<hbm>>
        tpu.enqueue_dma source(%dma_start3A_67 : memref<64x128xf32, #tpu.memory_space<hbm>>) target(%dma_start3A_65 : memref<64x128xf32, #tpu.memory_space<vmem>>) target_semaphore(%dma_start3A_61 : memref<!tpu.dma_semaphore, #tpu.memory_space<semaphore_mem>>)
      } else {
      }
    }
    %scan3A_10 = arith.constant 7 : i32
    %scan3A_11 = arith.constant 0 : i32
    %scan3A_12 = arith.constant 512 : i32
    %scan3A_13 = arith.addi %scan3A_11, %scan3A_12 : i32
    %scan3A_14 = arith.constant 1 : i32
    %scan3A_15:4 = scf.for %scan3A_35 = %scan3A_11 to %scan3A_13 step %scan3A_14 iter_args(%scan3A_36 = %broadcast_in_dim3A_5, %scan3A_37 = %broadcast_in_dim3A_5, %scan3A_38 = %broadcast_in_dim3A_5, %scan3A_39 = %broadcast_in_dim3A_5) -> (vector<16xf32>, vector<16xf32>, vector<16xf32>, vector<16xf32>)  : i32 {
      %shift_right_arithmetic3A = arith.constant 4 : i32
      %shift_right_arithmetic3A_40 = arith.shrsi %scan3A_35, %shift_right_arithmetic3A : i32
      %mul3A_41 = arith.constant 16 : i32
      %mul3A_42 = arith.muli %shift_right_arithmetic3A_40, %mul3A_41 : i32
      %get3A = arith.index_cast %mul3A_42 : i32 to index
      %get3A_43 = tpu.vector_load %arg8[%get3A] {strides = array<i32>} : memref<512xi32, #tpu.memory_space<vmem>>, vector<16xi32>,
      %and3A = arith.constant 15 : i32
      %and3A_44 = arith.andi %scan3A_35, %and3A : i32
      %eq3A = vector.broadcast %and3A_44 : i32 to vector<16xi32>
      %eq3A_45 = arith.cmpi eq, %iota3A, %eq3A : vector<16xi32>
      %jit3A = arith.constant 0 : i32
      %broadcast_in_dim3A_46 = vector.broadcast %jit3A : i32 to vector<16xi32>
      %select_n3A = arith.select %eq3A_45, %get3A_43, %broadcast_in_dim3A_46 : vector<16xi1>, vector<16xi32>
      %reduce_sum3A = arith.constant true
      %reduce_sum3A_47 = vector.broadcast %reduce_sum3A : i1 to vector<16xi1>
      %reduce_sum3A_48 = tpu.scan <sum>, %select_n3A masked %reduce_sum3A_47 : vector<16xi32>, vector<16xi1> -> vector<16xi32>
      %reduce_sum3A_49 = vector.extract %reduce_sum3A_48[15] : i32 from vector<16xi32>
      %shift_right_arithmetic3A_50 = arith.constant 4 : i32
      %shift_right_arithmetic3A_51 = arith.shrsi %scan3A_35, %shift_right_arithmetic3A_50 : i32
      %mul3A_52 = arith.constant 16 : i32
      %mul3A_53 = arith.muli %shift_right_arithmetic3A_51, %mul3A_52 : i32
      %get3A_54 = arith.index_cast %mul3A_53 : i32 to index
      %get3A_55 = tpu.vector_load %arg10[%get3A_54] {strides = array<i32>} : memref<512xi32, #tpu.memory_space<vmem>>, vector<16xi32>,
      %and3A_56 = arith.constant 15 : i32
      %and3A_57 = arith.andi %scan3A_35, %and3A_56 : i32
      %eq3A_58 = vector.broadcast %and3A_57 : i32 to vector<16xi32>
      %eq3A_59 = arith.cmpi eq, %iota3A, %eq3A_58 : vector<16xi32>
      %jit3A_60 = arith.constant 0 : i32
      %broadcast_in_dim3A_61 = vector.broadcast %jit3A_60 : i32 to vector<16xi32>
      %select_n3A_62 = arith.select %eq3A_59, %get3A_55, %broadcast_in_dim3A_61 : vector<16xi1>, vector<16xi32>
      %reduce_sum3A_63 = arith.constant true
      %reduce_sum3A_64 = vector.broadcast %reduce_sum3A_63 : i1 to vector<16xi1>
      %reduce_sum3A_65 = tpu.scan <sum>, %select_n3A_62 masked %reduce_sum3A_64 : vector<16xi32>, vector<16xi1> -> vector<16xi32>
      %reduce_sum3A_66 = vector.extract %reduce_sum3A_65[15] : i32 from vector<16xi32>
      %shift_right_arithmetic3A_67 = arith.constant 21 : i32
      %shift_right_arithmetic3A_68 = arith.shrsi %reduce_sum3A_49, %shift_right_arithmetic3A_67 : i32
      %and3A_69 = arith.constant 7 : i32
      %and3A_70 = arith.andi %shift_right_arithmetic3A_68, %and3A_69 : i32
      %gt3A = arith.constant 0 : i32
      %gt3A_71 = arith.cmpi sgt, %reduce_sum3A_66, %gt3A : i32
      %convert_element_type3A = arith.extui %gt3A_71 : i1 to i32
      %cond3A = arith.constant 0 : i32
      %cond3A_72 = arith.cmpi ne, %convert_element_type3A, %cond3A : i32
      scf.if %cond3A_72 {
        %and3A_145 = arith.constant 16383 : i32
        %and3A_146 = arith.andi %reduce_sum3A_66, %and3A_145 : i32
        %sub3A_147 = arith.constant 1 : i32
        %sub3A_148 = arith.subi %and3A_146, %sub3A_147 : i32
        %shift_right_arithmetic3A_149 = arith.constant 14 : i32
        %shift_right_arithmetic3A_150 = arith.shrsi %reduce_sum3A_66, %shift_right_arithmetic3A_149 : i32
        %mul3A_151 = arith.constant 128 : i32
        %mul3A_152 = arith.muli %sub3A_148, %mul3A_151 : i32
        %multiple_of3A = tpu.assume_multiple %mul3A_152, 128 : i32
        %dma_start3A = arith.constant 0 : i32
        %dma_start3A_153 = arith.constant 0 : i32
        %dma_start3A_154 = tpu.memref_slice %arg12[%shift_right_arithmetic3A_150, %dma_start3A, %dma_start3A_153] : memref<8x64x128xf32, #tpu.memory_space<vmem>> -> memref<1x64x128xf32, #tpu.memory_space<vmem>>
        %dma_start3A_155 = tpu.memref_squeeze %dma_start3A_154 : memref<1x64x128xf32, #tpu.memory_space<vmem>> -> memref<64x128xf32, #tpu.memory_space<vmem>>
        %dma_start3A_156 = arith.constant 0 : i32
        %dma_start3A_157 = tpu.memref_slice %arg6[%dma_start3A_156, %multiple_of3A] : memref<64x1000000xf32, #tpu.memory_space<hbm>> -> memref<64x128xf32, #tpu.memory_space<hbm>>
        %dma_start3A_158 = tpu.memref_slice %arg14[%shift_right_arithmetic3A_150] : memref<8x!tpu.dma_semaphore, #tpu.memory_space<semaphore_mem>> -> memref<1x!tpu.dma_semaphore, #tpu.memory_space<semaphore_mem>>
        %dma_start3A_159 = tpu.memref_squeeze %dma_start3A_158 : memref<1x!tpu.dma_semaphore, #tpu.memory_space<semaphore_mem>> -> memref<!tpu.dma_semaphore, #tpu.memory_space<semaphore_mem>>
        %dma_start3A_160 = arith.constant 0 : i32
        %dma_start3A_161 = arith.constant 0 : i32
        %dma_start3A_162 = tpu.memref_slice %arg12[%shift_right_arithmetic3A_150, %dma_start3A_160, %dma_start3A_161] : memref<8x64x128xf32, #tpu.memory_space<vmem>> -> memref<1x64x128xf32, #tpu.memory_space<vmem>>
        %dma_start3A_163 = tpu.memref_squeeze %dma_start3A_162 : memref<1x64x128xf32, #tpu.memory_space<vmem>> -> memref<64x128xf32, #tpu.memory_space<vmem>>
        %dma_start3A_164 = arith.constant 0 : i32
        %dma_start3A_165 = tpu.memref_slice %arg6[%dma_start3A_164, %multiple_of3A] : memref<64x1000000xf32, #tpu.memory_space<hbm>> -> memref<64x128xf32, #tpu.memory_space<hbm>>
        tpu.enqueue_dma source(%dma_start3A_165 : memref<64x128xf32, #tpu.memory_space<hbm>>) target(%dma_start3A_163 : memref<64x128xf32, #tpu.memory_space<vmem>>) target_semaphore(%dma_start3A_159 : memref<!tpu.dma_semaphore, #tpu.memory_space<semaphore_mem>>)
      } else {
      }
      %shift_right_arithmetic3A_73 = arith.constant 20 : i32
      %shift_right_arithmetic3A_74 = arith.shrsi %reduce_sum3A_49, %shift_right_arithmetic3A_73 : i32
      %and3A_75 = arith.constant 1 : i32
      %and3A_76 = arith.andi %shift_right_arithmetic3A_74, %and3A_75 : i32
      %eq3A_77 = arith.constant 1 : i32
      %eq3A_78 = arith.cmpi eq, %and3A_76, %eq3A_77 : i32
      %convert_element_type3A_79 = arith.extui %eq3A_78 : i1 to i32
      %cond3A_80 = arith.constant 0 : i32
      %cond3A_81 = arith.cmpi ne, %convert_element_type3A_79, %cond3A_80 : i32
      scf.if %cond3A_81 {
        %dma_wait3A = arith.constant 0 : i32
        %dma_wait3A_145 = arith.constant 0 : i32
        %dma_wait3A_146 = tpu.memref_slice %arg12[%and3A_70, %dma_wait3A, %dma_wait3A_145] : memref<8x64x128xf32, #tpu.memory_space<vmem>> -> memref<1x64x128xf32, #tpu.memory_space<vmem>>
        %dma_wait3A_147 = tpu.memref_squeeze %dma_wait3A_146 : memref<1x64x128xf32, #tpu.memory_space<vmem>> -> memref<64x128xf32, #tpu.memory_space<vmem>>
        %dma_wait3A_148 = arith.constant 0 : i32
        %dma_wait3A_149 = arith.constant 0 : i32
        %dma_wait3A_150 = tpu.memref_slice %arg6[%dma_wait3A_148, %dma_wait3A_149] : memref<64x1000000xf32, #tpu.memory_space<hbm>> -> memref<64x128xf32, #tpu.memory_space<hbm>>
        %dma_wait3A_151 = tpu.memref_slice %arg14[%and3A_70] : memref<8x!tpu.dma_semaphore, #tpu.memory_space<semaphore_mem>> -> memref<1x!tpu.dma_semaphore, #tpu.memory_space<semaphore_mem>>
        %dma_wait3A_152 = tpu.memref_squeeze %dma_wait3A_151 : memref<1x!tpu.dma_semaphore, #tpu.memory_space<semaphore_mem>> -> memref<!tpu.dma_semaphore, #tpu.memory_space<semaphore_mem>>
        %dma_wait3A_153 = arith.constant 0 : i32
        %dma_wait3A_154 = arith.constant 0 : i32
        %dma_wait3A_155 = tpu.memref_slice %arg12[%and3A_70, %dma_wait3A_153, %dma_wait3A_154] : memref<8x64x128xf32, #tpu.memory_space<vmem>> -> memref<1x64x128xf32, #tpu.memory_space<vmem>>
        %dma_wait3A_156 = tpu.memref_squeeze %dma_wait3A_155 : memref<1x64x128xf32, #tpu.memory_space<vmem>> -> memref<64x128xf32, #tpu.memory_space<vmem>>
        %dma_wait3A_157 = arith.constant 0 : i32
        %dma_wait3A_158 = arith.constant 0 : i32
        %dma_wait3A_159 = tpu.memref_slice %arg6[%dma_wait3A_157, %dma_wait3A_158] : memref<64x1000000xf32, #tpu.memory_space<hbm>> -> memref<64x128xf32, #tpu.memory_space<hbm>>
        tpu.wait_dma2 semaphore(%dma_wait3A_152 : memref<!tpu.dma_semaphore, #tpu.memory_space<semaphore_mem>>) src(%dma_wait3A_159 : memref<64x128xf32, #tpu.memory_space<hbm>>) dst(%dma_wait3A_156 : memref<64x128xf32, #tpu.memory_space<vmem>>)
      } else {
      }
      %and3A_82 = arith.constant 127 : i32
      %and3A_83 = arith.andi %reduce_sum3A_49, %and3A_82 : i32
      %broadcast_in_dim3A_84 = vector.broadcast %and3A_83 : i32 to vector<16xi32>
      %mul3A_85 = arith.constant 64 : i32
      %mul3A_86 = arith.muli %scan3A_35, %mul3A_85 : i32
      %add3A_87 = arith.constant 0 : i32
      %add3A_88 = vector.broadcast %add3A_87 : i32 to vector<16xi32>
      %add3A_89 = arith.addi %add3A_88, %iota3A : vector<16xi32>
      %gather3A = arith.constant 0 : i32
      %gather3A_90 = arith.constant 0 : i32
      %gather3A_91 = tpu.memref_slice %arg12[%and3A_70, %gather3A, %gather3A_90] : memref<8x64x128xf32, #tpu.memory_space<vmem>> -> memref<1x64x128xf32, #tpu.memory_space<vmem>>
      %gather3A_92 = tpu.memref_squeeze %gather3A_91 : memref<1x64x128xf32, #tpu.memory_space<vmem>> -> memref<64x128xf32, #tpu.memory_space<vmem>>
      %gather3A_93 = tpu.vector_load_idx %gather3A_92[%add3A_89, %broadcast_in_dim3A_84] : memref<64x128xf32, #tpu.memory_space<vmem>>[vector<16xi32>, vector<16xi32>], vector<16xf32>,
      %add3A_94 = arith.constant 0 : i32
      %add3A_95 = arith.addi %mul3A_86, %add3A_94 : i32
      %get3A_96 = arith.index_cast %add3A_95 : i32 to index
      %get3A_97 = tpu.vector_load %arg11[%get3A_96] {strides = array<i32>} : memref<32768xf32, #tpu.memory_space<vmem>>, vector<16xf32>,
      %sub3A = arith.subf %get3A_97, %gather3A_93 : vector<16xf32>
      %mul3A_98 = arith.mulf %sub3A, %sub3A : vector<16xf32>
      %add3A_99 = arith.addf %scan3A_36, %mul3A_98 : vector<16xf32>
      %add3A_100 = arith.constant 16 : i32
      %add3A_101 = vector.broadcast %add3A_100 : i32 to vector<16xi32>
      %add3A_102 = arith.addi %add3A_101, %iota3A : vector<16xi32>
      %gather3A_103 = arith.constant 0 : i32
      %gather3A_104 = arith.constant 0 : i32
      %gather3A_105 = tpu.memref_slice %arg12[%and3A_70, %gather3A_103, %gather3A_104] : memref<8x64x128xf32, #tpu.memory_space<vmem>> -> memref<1x64x128xf32, #tpu.memory_space<vmem>>
      %gather3A_106 = tpu.memref_squeeze %gather3A_105 : memref<1x64x128xf32, #tpu.memory_space<vmem>> -> memref<64x128xf32, #tpu.memory_space<vmem>>
      %gather3A_107 = tpu.vector_load_idx %gather3A_106[%add3A_102, %broadcast_in_dim3A_84] : memref<64x128xf32, #tpu.memory_space<vmem>>[vector<16xi32>, vector<16xi32>], vector<16xf32>,
      %add3A_108 = arith.constant 16 : i32
      %add3A_109 = arith.addi %mul3A_86, %add3A_108 : i32
      %get3A_110 = arith.index_cast %add3A_109 : i32 to index
      %get3A_111 = tpu.vector_load %arg11[%get3A_110] {strides = array<i32>} : memref<32768xf32, #tpu.memory_space<vmem>>, vector<16xf32>,
      %sub3A_112 = arith.subf %get3A_111, %gather3A_107 : vector<16xf32>
      %mul3A_113 = arith.mulf %sub3A_112, %sub3A_112 : vector<16xf32>
      %add3A_114 = arith.addf %scan3A_37, %mul3A_113 : vector<16xf32>
      %add3A_115 = arith.constant 32 : i32
      %add3A_116 = vector.broadcast %add3A_115 : i32 to vector<16xi32>
      %add3A_117 = arith.addi %add3A_116, %iota3A : vector<16xi32>
      %gather3A_118 = arith.constant 0 : i32
      %gather3A_119 = arith.constant 0 : i32
      %gather3A_120 = tpu.memref_slice %arg12[%and3A_70, %gather3A_118, %gather3A_119] : memref<8x64x128xf32, #tpu.memory_space<vmem>> -> memref<1x64x128xf32, #tpu.memory_space<vmem>>
      %gather3A_121 = tpu.memref_squeeze %gather3A_120 : memref<1x64x128xf32, #tpu.memory_space<vmem>> -> memref<64x128xf32, #tpu.memory_space<vmem>>
      %gather3A_122 = tpu.vector_load_idx %gather3A_121[%add3A_117, %broadcast_in_dim3A_84] : memref<64x128xf32, #tpu.memory_space<vmem>>[vector<16xi32>, vector<16xi32>], vector<16xf32>,
      %add3A_123 = arith.constant 32 : i32
      %add3A_124 = arith.addi %mul3A_86, %add3A_123 : i32
      %get3A_125 = arith.index_cast %add3A_124 : i32 to index
      %get3A_126 = tpu.vector_load %arg11[%get3A_125] {strides = array<i32>} : memref<32768xf32, #tpu.memory_space<vmem>>, vector<16xf32>,
      %sub3A_127 = arith.subf %get3A_126, %gather3A_122 : vector<16xf32>
      %mul3A_128 = arith.mulf %sub3A_127, %sub3A_127 : vector<16xf32>
      %add3A_129 = arith.addf %scan3A_38, %mul3A_128 : vector<16xf32>
      %add3A_130 = arith.constant 48 : i32
      %add3A_131 = vector.broadcast %add3A_130 : i32 to vector<16xi32>
      %add3A_132 = arith.addi %add3A_131, %iota3A : vector<16xi32>
      %gather3A_133 = arith.constant 0 : i32
      %gather3A_134 = arith.constant 0 : i32
      %gather3A_135 = tpu.memref_slice %arg12[%and3A_70, %gather3A_133, %gather3A_134] : memref<8x64x128xf32, #tpu.memory_space<vmem>> -> memref<1x64x128xf32, #tpu.memory_space<vmem>>
      %gather3A_136 = tpu.memref_squeeze %gather3A_135 : memref<1x64x128xf32, #tpu.memory_space<vmem>> -> memref<64x128xf32, #tpu.memory_space<vmem>>
      %gather3A_137 = tpu.vector_load_idx %gather3A_136[%add3A_132, %broadcast_in_dim3A_84] : memref<64x128xf32, #tpu.memory_space<vmem>>[vector<16xi32>, vector<16xi32>], vector<16xf32>,
      %add3A_138 = arith.constant 48 : i32
      %add3A_139 = arith.addi %mul3A_86, %add3A_138 : i32
      %get3A_140 = arith.index_cast %add3A_139 : i32 to index
      %get3A_141 = tpu.vector_load %arg11[%get3A_140] {strides = array<i32>} : memref<32768xf32, #tpu.memory_space<vmem>>, vector<16xf32>,
      %sub3A_142 = arith.subf %get3A_141, %gather3A_137 : vector<16xf32>
      %mul3A_143 = arith.mulf %sub3A_142, %sub3A_142 : vector<16xf32>
      %add3A_144 = arith.addf %scan3A_39, %mul3A_143 : vector<16xf32>
      scf.yield %add3A_99, %add3A_114, %add3A_129, %add3A_144 : vector<16xf32>, vector<16xf32>, vector<16xf32>, vector<16xf32>
    }
    %scan3A_16 = arith.constant 512 : i32
    %add3A_17 = arith.addf %scan3A_15#0, %scan3A_15#1 : vector<16xf32>
    %add3A_18 = arith.addf %scan3A_15#2, %scan3A_15#3 : vector<16xf32>
    %add3A_19 = arith.addf %add3A_17, %add3A_18 : vector<16xf32>
    %swap3A = arith.constant 0 : index
    %swap3A_20 = tpu.vector_load %arg13[%swap3A] {strides = array<i32>} : memref<128xf32, #tpu.memory_space<vmem>>, vector<16xf32>,
    tpu.vector_store %arg13[%swap3A], %add3A_19 {strides = array<i32>} : memref<128xf32, #tpu.memory_space<vmem>>, vector<16xf32>,
    %swap3A_21 = arith.constant 16 : index
    %swap3A_22 = tpu.vector_load %arg13[%swap3A_21] {strides = array<i32>} : memref<128xf32, #tpu.memory_space<vmem>>, vector<16xf32>,
    tpu.vector_store %arg13[%swap3A_21], %broadcast_in_dim3A_5 {strides = array<i32>} : memref<128xf32, #tpu.memory_space<vmem>>, vector<16xf32>,
    %swap3A_23 = arith.constant 32 : index
    %swap3A_24 = tpu.vector_load %arg13[%swap3A_23] {strides = array<i32>} : memref<128xf32, #tpu.memory_space<vmem>>, vector<16xf32>,
    tpu.vector_store %arg13[%swap3A_23], %broadcast_in_dim3A_5 {strides = array<i32>} : memref<128xf32, #tpu.memory_space<vmem>>, vector<16xf32>,
    %swap3A_25 = arith.constant 48 : index
    %swap3A_26 = tpu.vector_load %arg13[%swap3A_25] {strides = array<i32>} : memref<128xf32, #tpu.memory_space<vmem>>, vector<16xf32>,
    tpu.vector_store %arg13[%swap3A_25], %broadcast_in_dim3A_5 {strides = array<i32>} : memref<128xf32, #tpu.memory_space<vmem>>, vector<16xf32>,
    %swap3A_27 = arith.constant 64 : index
    %swap3A_28 = tpu.vector_load %arg13[%swap3A_27] {strides = array<i32>} : memref<128xf32, #tpu.memory_space<vmem>>, vector<16xf32>,
    tpu.vector_store %arg13[%swap3A_27], %broadcast_in_dim3A_5 {strides = array<i32>} : memref<128xf32, #tpu.memory_space<vmem>>, vector<16xf32>,
    %swap3A_29 = arith.constant 80 : index
    %swap3A_30 = tpu.vector_load %arg13[%swap3A_29] {strides = array<i32>} : memref<128xf32, #tpu.memory_space<vmem>>, vector<16xf32>,
    tpu.vector_store %arg13[%swap3A_29], %broadcast_in_dim3A_5 {strides = array<i32>} : memref<128xf32, #tpu.memory_space<vmem>>, vector<16xf32>,
    %swap3A_31 = arith.constant 96 : index
    %swap3A_32 = tpu.vector_load %arg13[%swap3A_31] {strides = array<i32>} : memref<128xf32, #tpu.memory_space<vmem>>, vector<16xf32>,
    tpu.vector_store %arg13[%swap3A_31], %broadcast_in_dim3A_5 {strides = array<i32>} : memref<128xf32, #tpu.memory_space<vmem>>, vector<16xf32>,
    %swap3A_33 = arith.constant 112 : index
    %swap3A_34 = tpu.vector_load %arg13[%swap3A_33] {strides = array<i32>} : memref<128xf32, #tpu.memory_space<vmem>>, vector<16xf32>,
    tpu.vector_store %arg13[%swap3A_33], %broadcast_in_dim3A_5 {strides = array<i32>} : memref<128xf32, #tpu.memory_space<vmem>>, vector<16xf32>,
    "tpu.region"() ({
      %run_scoped3A = tpu.sem_alloc : memref<!tpu.dma_semaphore, #tpu.memory_space<semaphore_mem>>
      %dma_start3A = arith.constant 0 : i32
      %dma_start3A_35 = tpu.memref_slice %arg7[%add3A, %dma_start3A] : memref<32x128xf32, #tpu.memory_space<hbm>> -> memref<1x128xf32, #tpu.memory_space<hbm>>
      %dma_start3A_36 = tpu.memref_squeeze %dma_start3A_35 : memref<1x128xf32, #tpu.memory_space<hbm>> -> memref<128xf32, #tpu.memory_space<hbm>>
      %dma_start3A_37 = arith.constant 0 : i32
      %dma_start3A_38 = tpu.memref_slice %arg7[%add3A, %dma_start3A_37] : memref<32x128xf32, #tpu.memory_space<hbm>> -> memref<1x128xf32, #tpu.memory_space<hbm>>
      %dma_start3A_39 = tpu.memref_squeeze %dma_start3A_38 : memref<1x128xf32, #tpu.memory_space<hbm>> -> memref<128xf32, #tpu.memory_space<hbm>>
      tpu.enqueue_dma source(%arg13 : memref<128xf32, #tpu.memory_space<vmem>>) target(%dma_start3A_39 : memref<128xf32, #tpu.memory_space<hbm>>) target_semaphore(%run_scoped3A : memref<!tpu.dma_semaphore, #tpu.memory_space<semaphore_mem>>)
      %dma_wait3A = arith.constant 0 : i32
      %dma_wait3A_40 = tpu.memref_slice %arg7[%add3A, %dma_wait3A] : memref<32x128xf32, #tpu.memory_space<hbm>> -> memref<1x128xf32, #tpu.memory_space<hbm>>
      %dma_wait3A_41 = tpu.memref_squeeze %dma_wait3A_40 : memref<1x128xf32, #tpu.memory_space<hbm>> -> memref<128xf32, #tpu.memory_space<hbm>>
      %dma_wait3A_42 = arith.constant 0 : i32
      %dma_wait3A_43 = tpu.memref_slice %arg7[%add3A, %dma_wait3A_42] : memref<32x128xf32, #tpu.memory_space<hbm>> -> memref<1x128xf32, #tpu.memory_space<hbm>>
      %dma_wait3A_44 = tpu.memref_squeeze %dma_wait3A_43 : memref<1x128xf32, #tpu.memory_space<hbm>> -> memref<128xf32, #tpu.memory_space<hbm>>
      tpu.wait_dma2 semaphore(%run_scoped3A : memref<!tpu.dma_semaphore, #tpu.memory_space<semaphore_mem>>) src(%arg13 : memref<128xf32, #tpu.memory_space<vmem>>) dst(%dma_wait3A_44 : memref<128xf32, #tpu.memory_space<hbm>>)
      tpu.yield
    }) : () -> ()
    return
  }
}

</mosaic_0001>

<sc_bundles>
// kernel: gather_offload_async_start.1
scs
__scs_entry_jumppad:
0x0: {  	(pc) =	sbr.rel $0x88, $3  }
0x1: {  	(tag) =	ssettag $0x0;
	lr =	simm.s32 $0x1  }
0x2: {  	[smem:$0x3F9E] =	sst lr;
	_ =	strace $0xD0000000  }
0x3: {  	_ = 	snop  }
0x4: {  	_ = 	snop  }
0x5: {  	_ = 	snop  }
0x6: {  	_ = 	snop  }
0x7: {  	_ = 	snop  }
__scs_overlays_trampoline_lowered:
0x8: {  	[smem:$0x3FAD] =	sst s0  }
0x9: {  	[smem:$0x3FAE] =	sst s1  }
0xa: {  	[smem:$0x3FAF] =	sst s2  }
0xb: {  	[smem:$0x3FB0] =	sst s3  }
0xc: {  	[smem:$0x3FB1] =	sst s4  }
0xd: {  	[smem:$0x3FB2] =	sst s5  }
0xe: {  	[smem:$0x3FB3] =	sst s6  }
0xf: {  	[smem:$0x3FB4] =	sst s7  }
0x10: {  	[smem:$0x3FB5] =	sst s8  }
0x11: {  	[smem:$0x3FB6] =	sst s9;
	s0 =	simm.s32 @!p0 $0x0  }
0x12: {  	s1 =	sld [smem:$0x3F9C];
	s0 =	simm.s32 @p0 $0x1  }
0x13: {  	[smem:$0x3FB7] =	sst s0;
	s0 =	simm.s32 @!p1 $0x0  }
0x14: {  	s2 =	sld [smem:$0x3F9B];
	s0 =	simm.s32 @p1 $0x1  }
0x15: {  	[smem:$0x3FB8] =	sst s0;
	s0 =	simm.s32 @!p2 $0x0  }
0x16: {  	s3 =	sld [smem:$0x3FDB];
	s0 =	simm.s32 @p2 $0x1  }
0x17: {  	s4 =	simm.s32 $0x1BF5;
	[smem:$0x3FBA] =	sst s0  }
0x18: {  	s0 =	sld [smem:$0x3F9D];
	_ =	swait.ge [sflag:s4], $0x0  }
0x19: {  	s7 =	sld [smem:$0x3F9E]  }
0x1a: {  	s8 =	sadd.s32 $0xFFFFE003, lr  }
0x1b: {  	s9 =	sadd.s32 $0xFFFFFEF7, lr;
	s5 =	simm.s32 $0xFFFFFFFF;
	p2 =	slt.u32 s8, $0xFFFFF086  }
0x1c: {  	p1 =	slt.u32 s9, $0xF7A;
	s5 =	simm.s32 @!p2 $0x0  }
0x1d: {  	s5 =	simm.s32 @p1 $0x1;
	p0 =	seq.s32 s7, s2  }
0x1e: {  	s7 =	smul.u32 @!p0 $0xF7A, s2;
	p2 =	seq.s32 @!p0 s5, $0x0  }
0x1f: {  	s9 =	smul.u32 $0xF7A, s1;
	s8 =	simm.s32 @!p0 $0x1BF5;
	p2 =	por !p2, p0  }
0x20: {  	[sflag:s8] =	ssyncset.s32 @!p0 $0xFFFFF086;
	s6 =	sadd.s32 @!p0 s3, s7;
	s7 =	simm.s32 @!p0 $0x108  }
0x21: {  	s3 =	sadd.s32 s3, s9;
	s6 =	sadd.s32 @!p0 $0x88, s6;
	s7 =	simm.s32 @p2 $0x1082  }
0x22: {  	[simem:s7], [sflag:s8] =	dma.local @!p0 [hbm:s6], $0xF7A  }
0x23: {  	s9 =	sor.u32 $0xD0000000, s2;
	s6 =	simm.s32 $0x108;
	_ =	swait.ge @!p0 [sflag:s8], $0x0  }
0x24: {  	s3 =	sadd.s32 $0x88, s3;
	s6 =	simm.s32 @!p1 $0x1082;
	[sflag:s4] =	ssyncset.s32 $0xFFFFF086  }
0x25: {  	[simem:s6], [sflag:s4] =	dma.local [hbm:s3], $0xF7A  }
0x26: {  	[smem:$0x3F9E] =	sst s1;
	(tag) =	ssettag s2;
	_ =	strace s9  }
0x27: {  	s1 =	sld [smem:$0x3FAE]  }
0x28: {  	s2 =	sld [smem:$0x3FAF]  }
0x29: {  	s4 =	sld [smem:$0x3FB1]  }
0x2a: {  	p0 =	seq.s32 s5, $0x0;
	s5 =	sld [smem:$0x3FB2]  }
0x2b: {  	s6 =	sld [smem:$0x3FB3]  }
0x2c: {  	s7 =	sld [smem:$0x3FB4]  }
0x2d: {  	s3 =	simm.s32 $0x108;
	s8 =	sld [smem:$0x3FB5]  }
0x2e: {  	s3 =	simm.s32 @!p0 $0x1082;
	s9 =	sld [smem:$0x3FB6]  }
0x2f: {  	lr =	sadd.s32 s0, s3;
	s0 =	sld [smem:$0x3FAD]  }
0x30: {  	s3 =	sld [smem:$0x3FB0]  }
0x31: {  	[smem:$0x3FB9] =	sst s10  }
0x32: {  	s10 =	sld [smem:$0x3FB7];
	_ =	sdelay $0x3  }
0x33: {  	p0 =	seq.s32 s10, $0x1;
	s10 =	sld [smem:$0x3FB9];
	_ =	sdelay $0x3  }
0x34: {  	[smem:$0x3FB9] =	sst s10  }
0x35: {  	s10 =	sld [smem:$0x3FB8];
	_ =	sdelay $0x3  }
0x36: {  	p1 =	seq.s32 s10, $0x1;
	s10 =	sld [smem:$0x3FB9];
	_ =	sdelay $0x3  }
0x37: {  	[smem:$0x3FB9] =	sst s10  }
0x38: {  	s10 =	sld [smem:$0x3FBA]  }
0x39: {  	_ = 	snop;
	(pc) =	sbr.ind lr, $3  }
0x3a: {  	_ = 	snop  }
0x3b: {  	_ = 	snop  }
0x3c: {  	p2 =	seq.s32 s10, $0x1;
	s10 =	sld [smem:$0x3FB9]  }
0x3d: {  	_ =	shalt  }
0x3e: {  	_ =	shalt  }
0x3f: {  	_ =	shalt  }
0x40: {  	_ =	shalt  }
0x41: {  	_ =	shalt  }
0x42: {  	_ =	shalt  }
0x43: {  	_ =	shalt  }
0x44: {  	_ =	shalt  }
0x45: {  	_ =	shalt  }
0x46: {  	_ =	shalt  }
0x47: {  	_ =	shalt  }
0x48: {  	_ =	shalt  }
0x49: {  	_ =	shalt  }
0x4a: {  	_ =	shalt  }
0x4b: {  	_ =	shalt  }
0x4c: {  	_ =	shalt  }
0x4d: {  	_ =	shalt  }
0x4e: {  	_ =	shalt  }
0x4f: {  	_ =	shalt  }
0x50: {  	_ =	shalt  }
0x51: {  	_ =	shalt  }
0x52: {  	_ =	shalt  }
0x53: {  	_ =	shalt  }
0x54: {  	_ =	shalt  }
0x55: {  	_ =	shalt  }
0x56: {  	_ =	shalt  }
0x57: {  	_ =	shalt  }
0x58: {  	_ =	shalt  }
0x59: {  	_ =	shalt  }
0x5a: {  	_ =	shalt  }
0x5b: {  	_ =	shalt  }
0x5c: {  	_ =	shalt  }
0x5d: {  	_ =	shalt  }
0x5e: {  	_ =	shalt  }
0x5f: {  	_ =	shalt  }
0x60: {  	_ =	shalt  }
0x61: {  	_ =	shalt  }
0x62: {  	_ =	shalt  }
0x63: {  	_ =	shalt  }
0x64: {  	_ =	shalt  }
0x65: {  	_ =	shalt  }
0x66: {  	_ =	shalt  }
0x67: {  	_ =	shalt  }
0x68: {  	_ =	shalt  }
0x69: {  	_ =	shalt  }
0x6a: {  	_ =	shalt  }
0x6b: {  	_ =	shalt  }
0x6c: {  	_ =	shalt  }
0x6d: {  	_ =	shalt  }
0x6e: {  	_ =	shalt  }
0x6f: {  	_ =	shalt  }
0x70: {  	_ =	shalt  }
0x71: {  	_ =	shalt  }
0x72: {  	_ =	shalt  }
0x73: {  	_ =	shalt  }
0x74: {  	_ =	shalt  }
0x75: {  	_ =	shalt  }
0x76: {  	_ =	shalt  }
0x77: {  	_ =	shalt  }
0x78: {  	_ =	shalt  }
0x79: {  	_ =	shalt  }
0x7a: {  	_ =	shalt  }
0x7b: {  	_ =	shalt  }
0x7c: {  	_ =	shalt  }
0x7d: {  	_ =	shalt  }
0x7e: {  	_ =	shalt  }
0x7f: {  	_ =	shalt  }
0x80: {  	_ =	shalt  }
0x81: {  	_ =	shalt  }
0x82: {  	_ =	shalt  }
0x83: {  	_ =	shalt  }
0x84: {  	_ =	shalt  }
0x85: {  	_ =	shalt  }
0x86: {  	_ =	shalt  }
0x87: {  	_ =	shalt  }
.Lfunc_end0:
.L_simem_size_0:
called_computation.1_lowered:
.L_overlay_start_0:
0x88: {  	s2 =	sld [smem:$0x3FD9]  }
0x89: {  	s3 =	sld [smem:$0x3FFE];
	_ =	sdelay $0x1  }
0x8a: {  	s1 =	srdreg.scid  }
0x8b: {  	s0 =	sand.u32 $0x1, s1  }
0x8c: {  	s16 =	sshll.u32 s0, $0xA;
	s2 =	sadd.s32 s3, s2  }
0x8d: {  	s2 =	sadd.s32 s2, s16  }
0x8e: {  	[smem:$0x3FC5] =	sst s2  }
0x8f: {  	_ = 	snop  }
0x90: {  	(tm) =	ssettm $0x1  }
0x91: {  	s17 =	sld [smem:$0x3FFB];
	_ =	sdelay $0x3  }
0x92: {  	_ =	strace s17  }
0x93: {  	s2 =	sld [smem:$0x3FFC];
	_ =	sdelay $0x3  }
0x94: {  	_ =	strace s2  }
0x95: {  	s2 =	sld [smem:$0x3FFD];
	_ =	sdelay $0x3  }
0x96: {  	_ =	strace s2  }
0x97: {  	_ =	strace $0x8FFFFFFF  }
0x98: {  	s18 =	sld [smem:$0x3FDB];
	_ =	sdelay $0x1  }
0x99: {  	s19 =	simm.s32 $_scs_section_size  }
0x9a: {  	s4 =	simm.s32 $_size__tile_overlayer_lowered;
	s5 =	simm.s32 $_tile_overlayer_lowered  }
0x9b: {  	s22 =	simm.s32 $0x1BFF;
	s21 =	sshll.u32 s5, $0x1;
	s2 =	sadd.s32 s19, s18  }
0x9c: {  	s6 =	simm.s32 $0x0;
	s20 =	sshll.u32 s4, $0x1;
	s4 =	sadd.s32 s21, s2  }
0x9d: {  	[timem:s6], [sflag:s22] =	dma.local [hbm:s4], s20  }
0x9e: {  	_ =	swait.ge [sflag:s22], s20  }
0x9f: {  	s3 =	ssub.s32 $0x0, s20;
	[sflag:s22] =	ssyncset.done $0x0  }
0xa0: {  	[sflag:s22] =	ssyncadd.s32 s3;
	_ =	sdelay $0x1  }
0xa1: {  	s23 =	simm.s32 $0x1B8B  }
0xa2: {  	_ =	swait.ge [sflag:s23], $0x1  }
0xa3: {  	[sflag:s23] =	ssyncset.done $0x0  }
0xa4: {  	s25 =	simm.s32 $0x1B8E;
	s24 =	sld [smem:$0x3FFE];
	[sflag:s23] =	ssyncadd.s32 $0xFFFFFFFF  }
0xa5: {  	s26 =	simm.s32 $execute0_lowered;
	[smem:$0x3FD2] =	sst s25  }
0xa6: {  	s4 =	sshll.u32 s26, $0x1;
	_ =	strace $0x80000049;
	[dreg:$0x1] =	wrdreg $0xFFFFFFFF  }
0xa7: {  	s28 =	simm.s32 $_size_execute0_lowered;
	s2 =	sadd.s32 s2, s4;
	[dreg:$0x0] =	wrdreg $0x0  }
0xa8: {  	s4 =	sshll.u32 s28, $0x1;
	[dreg:$0x2] =	wrdreg s2  }
0xa9: {  	[dreg:$0x3] =	wrdreg s4  }
0xaa: {  	[dreg:$0x4] =	wrdreg $0xC0  }
0xab: {  	_ =	task [dreg:s6], $0x5FFFF  }
0xac: {  	[dreg:$0x1] =	wrdreg $0xFFFFFFFF  }
0xad: {  	[dreg:$0x0] =	wrdreg $0x60  }
0xae: {  	[dreg:$0x2] =	wrdreg s24  }
0xaf: {  	[dreg:$0x3] =	wrdreg $0x9  }
0xb0: {  	_ =	task.clear_ibuf [dreg:s6], $0x4FFFF;
	_ =	strace $0x90000049  }
0xb1: {  	s29 =	simm.s32 $0x9;
	_ =	strace $0x8000004B  }
0xb2: {  	_ =	swait.ge [sflag:s29], $0x1  }
0xb3: {  	[sflag:s29] =	ssyncadd.s32 $0xFFFFFFFF  }
0xb4: {  	_ =	strace $0x9000004B  }
0xb5: {  	_ =	sfence  }
0xb6: {  	s30 =	sld [smem:$0x0];
	_ =	sdelay $0x2  }
0xb7: {  	s31 =	sshll.u32 s1, $0xD;
	s1 =	sshrl.u32 s1, $0x2  }
0xb8: {  	s3 =	sand.u32 $0x4000, s31;
	s1 =	sadd.s32 s1, s30  }
0xb9: {  	s0 =	sor.u32 s3, s0;
	s1 =	sshll.u32 s1, $0x11  }
0xba: {  	s0 =	sor.u32 s1, s0  }
0xbb: {  	s0 =	sadd.s32 $0x8F2B, s0  }
0xbc: {  	[sflag:s0] =	ssyncadd.remote.s32 $0x1  }
0xbd: {  	_ =	sfence.sel $0xFFFF  }
0xbe: {  	[dreg:$0x0] =	wrdreg $0xFFFFFFFF;
	(pc) =	sbr.abs _section_cstart, $3  }
0xbf: {  	[dreg:$0x1] =	wrdreg $0xFFFFFFFF  }
0xc0: {  	_ =	task.clear_ibuf [dreg:s6], $0x2FFFF;
	_ =	strace $0x9FFFFFFF  }
0xc1: {  	(tm) =	ssettm $0x7FFFFFFF  }
tec
execute0_lowered:
.L_overlay_start_1:
0x0: {  	(tag) =	ssettag $0x1  }
0x1: {  	s2 =	rddreg [dreg:$0x0]  }
0x2: {  	s0 =	rddreg [dreg:$0x1]  }
0x3: {  	s1 =	srdreg.scid;
	_ =	strace $0x8000004A;
	s4 =	simm.s32 $0x1  }
0x4: {  	s9 =	simm.s32 $0x3;
	s11 =	simm.s32 $0x0;
	s5 =	sshll.u32 s1, $0x4  }
.Ltmp0:
0x5: {  	s1 =	stileid.u32;
	s5 =	sand.u32 $0x10, s5;
	(pc) =	sbr.rel .LBB2_1-.Ltmp0, $4  }
0x6: {  	p0 =	por $0x0, $0x0;
	s3 =	sadd.s32 $0x40000, s2;
	s6 =	sor.u32 s1, s5  }
0x7: {  	[sflag:s4] =	ssyncpa.u1 $0x0;
	s5 =	simm.s32 $0x2;
	s6 =	sshll.u32 s6, $0x9  }
0x8: {  	s7 =	sadd.s32 $0x41000, s2;
	[sflag:s5] =	ssyncpa.u1 $0x0;
	s8 =	sadd.s32 $0x200, s6  }
0x9: {  	vm0 =	vmmov $0xff;
	vm1 =	vcmask $0x3F20;
	[sflag:s9] =	ssyncpa.u1 $0x0;
	s10 =	smov.u32 s6;
	s9 =	simm.s32 $0x0  }
.LBB2_7:
0xa: {  	p1 =	slt.u32 s9, $0x2;
	s11 =	sadd.s32 $0x100, s10  }
0xb: {  	s13 =	smov.u32 s6;
	s9 =	sadd.s32 $0x1, s9;
	p2 =	slt.s32 s11, s8  }
0xc: {  	s13 =	smov.u32 @p2 s11;
	p2 =	sne.s32 s9, $0x4  }
.Ltmp1:
0xd: {  	_ = 	snop;
	(pc) =	sbr.rel @!p2 .LBB2_8-.Ltmp1, $4  }
0xe: {  	s12 =	simm.s32 @!p1 $0x3  }
0xf: {  	_ =	swait.ge @!p1 [sflag:s12], $0x8000  }
0x10: {  	p0 =	por !p0, !p0;
	[sflag:s12] =	ssyncset.done @!p1 $0x0  }
0x11: {  	s11 =	smov.u32 s10;
	s10 =	smov.u32 s13;
	[sflag:s12] =	ssyncadd.s32 @!p1 $0xFFFF8000  }
.LBB2_1:
0x12: {  	p1 =	sgt.u32 s9, $0x1  }
0x13: {  	s12 =	sshll.u32 @!p1 s9, $0x8;
	s13 =	sshrl.u32 @!p1 s10, $0x3  }
0x14: {  	s14 =	sand.u32 @!p1 $0x7, s10;
	s12 =	sxor.u32 @!p1 $0x100, s12;
	s13 =	sadd.s32 @!p1 s3, s13  }
0x15: {  	[tilespmem:s12], [sflag:$0x2] =	stream.linear.gather @!p1 [hbm4b:s13+s14], $0x100, $0x38;
	[tilespmem:$0x10200] =	vst v63  }
0x16: {  	p1 =	seq.s32 s9, $0x0  }
0x17: {  	p2 =	seq.s32 @!p1 s9, $0x3  }
0x18: {  	p1 =	por p1, p2  }
.Ltmp2:
0x19: {  	_ = 	snop;
	(pc) =	sbr.rel @p1 .LBB2_7-.Ltmp2, $1  }
0x1a: {  	_ =	sdelay $0x3  }
0x1b: {  	s12 =	simm.s32 $0x1  }
0x1c: {  	_ =	swait.ge [sflag:s5], $0x100;
	s12 =	simm.s32 @!p0 $0x0  }
0x1d: {  	[sflag:s5] =	ssyncset.done $0x0;
	s14 =	sshll.u32 s12, $0x8  }
0x1e: {  	[sflag:s5] =	ssyncadd.s32 $0xFFFFFF00;
	s13 =	sadd.s32 $0x0, s14  }
0x1f: {  	v0 =	vld.msk [tilespmem:s13+$0x0 ss:$0x1], $0xffff;
	_ =	sdelay $0x4  }
0x20: {  	vm2 =	vgt.s32 v0, $0x0  }
0x21: {  	v0 =	vnsel vm2, $0x0, v0  }
0x22: {  	v0 =	vmin.u32 v0, $0x3FFF  }
0x23: {  	v0 =	vshll.u32 v0, $0x4;
	_ =	sdelay $0x2  }
0x24: {  	s12 =	sshll.u32 s12, $0xF  }
0x25: {  	s12 =	sor.u32 $0x200, s12  }
0x26: {  	[tilespmem:s12], [sflag:$0x1] =	stream.indirect_vreg.gather [hbm:s2], $0x80, v0, vm0, $0x38;
	[tilespmem:$0x10200] =	vst v63  }
0x27: {  	s15 =	sadd.s32 $0x10, s14;
	s13 =	sadd.s32 $0x400, s12  }
0x28: {  	[tilespmem:s13], [sflag:$0x1] =	stream.indirect_vreg.gather [hbm:s2], $0x80, v0, vm1, $0x38;
	[tilespmem:$0x10200] =	vst v63  }
0x29: {  	s16 =	simm.s32 $0x80;
	v0 =	vld.msk [tilespmem:s15+$0x0 ss:$0x1], $0xffff;
	s15 =	smov.u32 s12  }
.LBB2_3:
0x2a: {  	p1 =	sne.s32 s16, $0x3C0;
	_ =	sdelay $0x4  }
0x2b: {  	vm2 =	vgt.s32 v0, $0x0  }
0x2c: {  	v0 =	vnsel vm2, $0x0, v0  }
0x2d: {  	v0 =	vmin.u32 v0, $0x3FFF  }
0x2e: {  	v0 =	vshll.u32 v0, $0x4;
	_ =	sdelay $0x3  }
.Ltmp3:
0x2f: {  	s17 =	sshra.s32 s16, $0x2;
	s15 =	sadd.s32 $0x800, s15;
	(pc) =	sbr.rel @p1 .LBB2_3-.Ltmp3, $4  }
0x30: {  	[tilespmem:s15], [sflag:$0x1] =	stream.indirect_vreg.gather [hbm:s2], $0x80, v0, vm0, $0x38;
	[tilespmem:$0x10200] =	vst v63  }
0x31: {  	s17 =	sadd.s32 s17, s14;
	s18 =	sadd.s32 $0x400, s15  }
0x32: {  	[tilespmem:s18], [sflag:$0x1] =	stream.indirect_vreg.gather [hbm:s2], $0x80, v0, vm1, $0x38;
	[tilespmem:$0x10200] =	vst v63  }
0x33: {  	s16 =	sadd.s32 $0x40, s16;
	v0 =	vld.msk [tilespmem:s17+$0x0 ss:$0x1], $0xffff  }
0x34: {  	_ =	sdelay $0x3  }
0x35: {  	vm2 =	vgt.s32 v0, $0x0  }
0x36: {  	v0 =	vnsel vm2, $0x0, v0  }
0x37: {  	v0 =	vmin.u32 v0, $0x3FFF  }
0x38: {  	v0 =	vshll.u32 v0, $0x4;
	_ =	sdelay $0x3  }
0x39: {  	s14 =	sadd.s32 $0x800, s15  }
0x3a: {  	[tilespmem:s14], [sflag:$0x1] =	stream.indirect_vreg.gather [hbm:s2], $0x80, v0, vm0, $0x38;
	[tilespmem:$0x10200] =	vst v63  }
0x3b: {  	s14 =	sadd.s32 $0x400, s14  }
0x3c: {  	[tilespmem:s14], [sflag:$0x1] =	stream.indirect_vreg.gather [hbm:s2], $0x80, v0, vm1, $0x38;
	[tilespmem:$0x10200] =	vst v63  }
0x3d: {  	s11 =	sshll.u32 s11, $0x4;
	_ =	swait.ge [sflag:s4], $0x8000  }
0x3e: {  	s11 =	sadd.s32 s11, s7;
	[sflag:s4] =	ssyncset.done $0x0  }
0x3f: {  	s15 =	sadd.s32 $0x0, s11;
	s14 =	simm.s32 $0x80;
	[sflag:s4] =	ssyncadd.s32 $0xFFFF8000  }
.LBB2_5:
0x40: {  	[hbm:s15] =	stream.linear.scatter [tilespmem:s12], [sflag:$0x3], $0x400, $0x38;
	[tilespmem:$0x10200] =	vst v63  }
0x41: {  	s15 =	smov.u32 s14;
	s12 =	smov.u32 s13;
	p1 =	sne.s32 s14, $0xF80  }
.Ltmp4:
0x42: {  	s14 =	sadd.s32 $0x80, s14;
	(pc) =	sbr.rel @p1 .LBB2_5-.Ltmp4, $2  }
0x43: {  	_ =	sdelay $0x2  }
0x44: {  	s13 =	sadd.s32 $0x400, s13;
	s15 =	sadd.s32 s15, s11  }
.Ltmp5:
0x45: {  	(pc) =	sbr.rel .LBB2_7-.Ltmp5, $2  }
0x46: {  	_ =	sdelay $0x2  }
0x47: {  	[hbm:s15] =	stream.linear.scatter [tilespmem:s12], [sflag:$0x3], $0x400, $0x38;
	[tilespmem:$0x10200] =	vst v63  }
.LBB2_8:
0x48: {  	_ =	sfence.sel $0x180000  }
0x49: {  	s2 =	simm.s32 $0x2;
	[bflag:$0x0] =	sbarrier.arrive $0xFFFF  }
0x4a: {  	s30 =	simm.s32 $0x3;
	[sflag:s2] =	ssyncpa.u1 $0x1  }
0x4b: {  	s31 =	simm.s32 $0x1;
	[sflag:s30] =	ssyncpa.u1 $0x1  }
0x4c: {  	[sflag:s31] =	ssyncpa.u1 $0x1  }
0x4d: {  	p0 =	sne.s32 s1, $0x0;
	_ =	strace $0x9000004A  }
0x4e: {  	s0 =	sadd.s32 @!p0 $0x100000, s0;
	[bflag:$0x2] =	sbarrier.arrive $0xFFFF  }
0x4f: {  	[sflag:s0] =	ssyncadd.tile.s32 @!p0 $0x1;
	_ =	shalt  }
.Lfunc_end2:
_tile_overlayer_lowered:
.L_overlay_start_2:
0x50: {  	(tag) =	ssettag $0x2  }
0x51: {  	s0 =	rddreg [dreg:$0x0];
	s2 =	stileid.u32  }
0x52: {  	s1 =	rddreg [dreg:$0x1];
	p0 =	sne.s32 s2, $0x0  }
0x53: {  	s3 =	rddreg [dreg:$0x2];
	[bflag:$0x3] =	sbarrier.arrive $0xFFFF;
	s2 =	simm.s32 @!p0 $0x1C01  }
0x54: {  	[timem:s3], [sflag:s2] =	dma.local @!p0 [hbm:s0], s1  }
0x55: {  	s0 =	simm.s32 @!p0 $0x1  }
0x56: {  	_ =	swait.ge @!p0 [sflag:s0], s1  }
0x57: {  	s1 =	ssub.s32 @!p0 $0x0, s1;
	[sflag:s0] =	ssyncset.done @!p0 $0x0  }
0x58: {  	[sflag:s0] =	ssyncadd.s32 @!p0 s1  }
0x59: {  	[bflag:$0x3] =	sbarrier.arrive $0xFFFF  }
0x5a: {  	_ =	shalt  }

// kernel: gather_offload_async_start
scs
__scs_entry_jumppad:
0x0: {  	(pc) =	sbr.rel $0x88, $3  }
0x1: {  	(tag) =	ssettag $0x0;
	lr =	simm.s32 $0x1  }
0x2: {  	[smem:$0x3F9E] =	sst lr;
	_ =	strace $0xD0000000  }
0x3: {  	_ = 	snop  }
0x4: {  	_ = 	snop  }
0x5: {  	_ = 	snop  }
0x6: {  	_ = 	snop  }
0x7: {  	_ = 	snop  }
__scs_overlays_trampoline_lowered:
0x8: {  	[smem:$0x3FAD] =	sst s0  }
0x9: {  	[smem:$0x3FAE] =	sst s1  }
0xa: {  	[smem:$0x3FAF] =	sst s2  }
0xb: {  	[smem:$0x3FB0] =	sst s3  }
0xc: {  	[smem:$0x3FB1] =	sst s4  }
0xd: {  	[smem:$0x3FB2] =	sst s5  }
0xe: {  	[smem:$0x3FB3] =	sst s6  }
0xf: {  	[smem:$0x3FB4] =	sst s7  }
0x10: {  	[smem:$0x3FB5] =	sst s8  }
0x11: {  	[smem:$0x3FB6] =	sst s9;
	s0 =	simm.s32 @!p0 $0x0  }
0x12: {  	s1 =	sld [smem:$0x3F9C];
	s0 =	simm.s32 @p0 $0x1  }
0x13: {  	[smem:$0x3FB7] =	sst s0;
	s0 =	simm.s32 @!p1 $0x0  }
0x14: {  	s2 =	sld [smem:$0x3F9B];
	s0 =	simm.s32 @p1 $0x1  }
0x15: {  	[smem:$0x3FB8] =	sst s0;
	s0 =	simm.s32 @!p2 $0x0  }
0x16: {  	s3 =	sld [smem:$0x3FDB];
	s0 =	simm.s32 @p2 $0x1  }
0x17: {  	s4 =	simm.s32 $0x1BF5;
	[smem:$0x3FBA] =	sst s0  }
0x18: {  	s0 =	sld [smem:$0x3F9D];
	_ =	swait.ge [sflag:s4], $0x0  }
0x19: {  	s7 =	sld [smem:$0x3F9E]  }
0x1a: {  	s8 =	sadd.s32 $0xFFFFE003, lr  }
0x1b: {  	s9 =	sadd.s32 $0xFFFFFEF7, lr;
	s5 =	simm.s32 $0xFFFFFFFF;
	p2 =	slt.u32 s8, $0xFFFFF086  }
0x1c: {  	p1 =	slt.u32 s9, $0xF7A;
	s5 =	simm.s32 @!p2 $0x0  }
0x1d: {  	s5 =	simm.s32 @p1 $0x1;
	p0 =	seq.s32 s7, s2  }
0x1e: {  	s7 =	smul.u32 @!p0 $0xF7A, s2;
	p2 =	seq.s32 @!p0 s5, $0x0  }
0x1f: {  	s9 =	smul.u32 $0xF7A, s1;
	s8 =	simm.s32 @!p0 $0x1BF5;
	p2 =	por !p2, p0  }
0x20: {  	[sflag:s8] =	ssyncset.s32 @!p0 $0xFFFFF086;
	s6 =	sadd.s32 @!p0 s3, s7;
	s7 =	simm.s32 @!p0 $0x108  }
0x21: {  	s3 =	sadd.s32 s3, s9;
	s6 =	sadd.s32 @!p0 $0x88, s6;
	s7 =	simm.s32 @p2 $0x1082  }
0x22: {  	[simem:s7], [sflag:s8] =	dma.local @!p0 [hbm:s6], $0xF7A  }
0x23: {  	s9 =	sor.u32 $0xD0000000, s2;
	s6 =	simm.s32 $0x108;
	_ =	swait.ge @!p0 [sflag:s8], $0x0  }
0x24: {  	s3 =	sadd.s32 $0x88, s3;
	s6 =	simm.s32 @!p1 $0x1082;
	[sflag:s4] =	ssyncset.s32 $0xFFFFF086  }
0x25: {  	[simem:s6], [sflag:s4] =	dma.local [hbm:s3], $0xF7A  }
0x26: {  	[smem:$0x3F9E] =	sst s1;
	(tag) =	ssettag s2;
	_ =	strace s9  }
0x27: {  	s1 =	sld [smem:$0x3FAE]  }
0x28: {  	s2 =	sld [smem:$0x3FAF]  }
0x29: {  	s4 =	sld [smem:$0x3FB1]  }
0x2a: {  	p0 =	seq.s32 s5, $0x0;
	s5 =	sld [smem:$0x3FB2]  }
0x2b: {  	s6 =	sld [smem:$0x3FB3]  }
0x2c: {  	s7 =	sld [smem:$0x3FB4]  }
0x2d: {  	s3 =	simm.s32 $0x108;
	s8 =	sld [smem:$0x3FB5]  }
0x2e: {  	s3 =	simm.s32 @!p0 $0x1082;
	s9 =	sld [smem:$0x3FB6]  }
0x2f: {  	lr =	sadd.s32 s0, s3;
	s0 =	sld [smem:$0x3FAD]  }
0x30: {  	s3 =	sld [smem:$0x3FB0]  }
0x31: {  	[smem:$0x3FB9] =	sst s10  }
0x32: {  	s10 =	sld [smem:$0x3FB7];
	_ =	sdelay $0x3  }
0x33: {  	p0 =	seq.s32 s10, $0x1;
	s10 =	sld [smem:$0x3FB9];
	_ =	sdelay $0x3  }
0x34: {  	[smem:$0x3FB9] =	sst s10  }
0x35: {  	s10 =	sld [smem:$0x3FB8];
	_ =	sdelay $0x3  }
0x36: {  	p1 =	seq.s32 s10, $0x1;
	s10 =	sld [smem:$0x3FB9];
	_ =	sdelay $0x3  }
0x37: {  	[smem:$0x3FB9] =	sst s10  }
0x38: {  	s10 =	sld [smem:$0x3FBA]  }
0x39: {  	_ = 	snop;
	(pc) =	sbr.ind lr, $3  }
0x3a: {  	_ = 	snop  }
0x3b: {  	_ = 	snop  }
0x3c: {  	p2 =	seq.s32 s10, $0x1;
	s10 =	sld [smem:$0x3FB9]  }
0x3d: {  	_ =	shalt  }
0x3e: {  	_ =	shalt  }
0x3f: {  	_ =	shalt  }
0x40: {  	_ =	shalt  }
0x41: {  	_ =	shalt  }
0x42: {  	_ =	shalt  }
0x43: {  	_ =	shalt  }
0x44: {  	_ =	shalt  }
0x45: {  	_ =	shalt  }
0x46: {  	_ =	shalt  }
0x47: {  	_ =	shalt  }
0x48: {  	_ =	shalt  }
0x49: {  	_ =	shalt  }
0x4a: {  	_ =	shalt  }
0x4b: {  	_ =	shalt  }
0x4c: {  	_ =	shalt  }
0x4d: {  	_ =	shalt  }
0x4e: {  	_ =	shalt  }
0x4f: {  	_ =	shalt  }
0x50: {  	_ =	shalt  }
0x51: {  	_ =	shalt  }
0x52: {  	_ =	shalt  }
0x53: {  	_ =	shalt  }
0x54: {  	_ =	shalt  }
0x55: {  	_ =	shalt  }
0x56: {  	_ =	shalt  }
0x57: {  	_ =	shalt  }
0x58: {  	_ =	shalt  }
0x59: {  	_ =	shalt  }
0x5a: {  	_ =	shalt  }
0x5b: {  	_ =	shalt  }
0x5c: {  	_ =	shalt  }
0x5d: {  	_ =	shalt  }
0x5e: {  	_ =	shalt  }
0x5f: {  	_ =	shalt  }
0x60: {  	_ =	shalt  }
0x61: {  	_ =	shalt  }
0x62: {  	_ =	shalt  }
0x63: {  	_ =	shalt  }
0x64: {  	_ =	shalt  }
0x65: {  	_ =	shalt  }
0x66: {  	_ =	shalt  }
0x67: {  	_ =	shalt  }
0x68: {  	_ =	shalt  }
0x69: {  	_ =	shalt  }
0x6a: {  	_ =	shalt  }
0x6b: {  	_ =	shalt  }
0x6c: {  	_ =	shalt  }
0x6d: {  	_ =	shalt  }
0x6e: {  	_ =	shalt  }
0x6f: {  	_ =	shalt  }
0x70: {  	_ =	shalt  }
0x71: {  	_ =	shalt  }
0x72: {  	_ =	shalt  }
0x73: {  	_ =	shalt  }
0x74: {  	_ =	shalt  }
0x75: {  	_ =	shalt  }
0x76: {  	_ =	shalt  }
0x77: {  	_ =	shalt  }
0x78: {  	_ =	shalt  }
0x79: {  	_ =	shalt  }
0x7a: {  	_ =	shalt  }
0x7b: {  	_ =	shalt  }
0x7c: {  	_ =	shalt  }
0x7d: {  	_ =	shalt  }
0x7e: {  	_ =	shalt  }
0x7f: {  	_ =	shalt  }
0x80: {  	_ =	shalt  }
0x81: {  	_ =	shalt  }
0x82: {  	_ =	shalt  }
0x83: {  	_ =	shalt  }
0x84: {  	_ =	shalt  }
0x85: {  	_ =	shalt  }
0x86: {  	_ =	shalt  }
0x87: {  	_ =	shalt  }
.Lfunc_end0:
.L_simem_size_0:
called_computation_lowered:
.L_overlay_start_0:
0x88: {  	s2 =	sld [smem:$0x3FD9]  }
0x89: {  	s3 =	sld [smem:$0x3FFE];
	_ =	sdelay $0x1  }
0x8a: {  	s1 =	srdreg.scid  }
0x8b: {  	s0 =	sand.u32 $0x1, s1  }
0x8c: {  	s17 =	sshll.u32 s0, $0xA;
	s2 =	sadd.s32 s3, s2  }
0x8d: {  	s2 =	sadd.s32 s2, s17  }
0x8e: {  	[smem:$0x3FC5] =	sst s2  }
0x8f: {  	_ = 	snop  }
0x90: {  	s2 =	sld [smem:$0x3FC8];
	(tm) =	ssettm $0x1  }
0x91: {  	s18 =	sld [smem:$0x3FFB];
	_ =	sdelay $0x3  }
0x92: {  	_ =	strace s18  }
0x93: {  	s3 =	sld [smem:$0x3FFC];
	_ =	sdelay $0x3  }
0x94: {  	_ =	strace s3  }
0x95: {  	s3 =	sld [smem:$0x3FFD];
	_ =	sdelay $0x3  }
0x96: {  	_ =	strace s3  }
0x97: {  	_ =	strace $0x8FFFFFFF  }
0x98: {  	s19 =	sld [smem:$0x3FDB];
	_ =	sdelay $0x1  }
0x99: {  	s4 =	simm.s32 $_scs_section_size  }
0x9a: {  	s5 =	simm.s32 $_size__tile_overlayer_lowered;
	s6 =	simm.s32 $_tile_overlayer_lowered  }
0x9b: {  	s22 =	simm.s32 $0x1BFF;
	s21 =	sshll.u32 s6, $0x1;
	s3 =	sadd.s32 s4, s19  }
0x9c: {  	s7 =	simm.s32 $0x0;
	s20 =	sshll.u32 s5, $0x1;
	s5 =	sadd.s32 s21, s3  }
0x9d: {  	[timem:s7], [sflag:s22] =	dma.local [hbm:s5], s20  }
0x9e: {  	_ =	swait.ge [sflag:s22], s20  }
0x9f: {  	s4 =	ssub.s32 $0x0, s20;
	[sflag:s22] =	ssyncset.done $0x0  }
0xa0: {  	[sflag:s22] =	ssyncadd.s32 s4;
	_ =	sdelay $0x1  }
0xa1: {  	s23 =	simm.s32 $0x1B8B  }
0xa2: {  	_ =	swait.ge [sflag:s23], $0x1  }
0xa3: {  	[sflag:s23] =	ssyncset.done $0x0  }
0xa4: {  	s25 =	simm.s32 $0x1B8E;
	s24 =	sld [smem:$0x3FFE];
	[sflag:s23] =	ssyncadd.s32 $0xFFFFFFFF  }
0xa5: {  	s26 =	simm.s32 $execute0_lowered;
	[smem:$0x3FD2] =	sst s25  }
0xa6: {  	s5 =	sshll.u32 s26, $0x1;
	_ =	strace $0x80000046;
	[dreg:$0x1] =	wrdreg $0xFFFFFFFF  }
0xa7: {  	s28 =	simm.s32 $_size_execute0_lowered;
	s3 =	sadd.s32 s3, s5;
	[dreg:$0x0] =	wrdreg $0x0  }
0xa8: {  	s5 =	sshll.u32 s28, $0x1;
	[dreg:$0x2] =	wrdreg s3  }
0xa9: {  	[dreg:$0x3] =	wrdreg s5  }
0xaa: {  	[dreg:$0x4] =	wrdreg $0xC0  }
0xab: {  	_ =	task [dreg:s7], $0x5FFFF  }
0xac: {  	[dreg:$0x1] =	wrdreg $0xFFFFFFFF  }
0xad: {  	[dreg:$0x0] =	wrdreg $0x60  }
0xae: {  	[dreg:$0x2] =	wrdreg s2  }
0xaf: {  	[dreg:$0x3] =	wrdreg s24  }
0xb0: {  	[dreg:$0x4] =	wrdreg $0x9  }
0xb1: {  	_ =	task.clear_ibuf [dreg:s7], $0x5FFFF;
	_ =	strace $0x90000046  }
0xb2: {  	s29 =	simm.s32 $0x9;
	_ =	strace $0x80000048  }
0xb3: {  	_ =	swait.ge [sflag:s29], $0x1  }
0xb4: {  	[sflag:s29] =	ssyncadd.s32 $0xFFFFFFFF  }
0xb5: {  	_ =	strace $0x90000048  }
0xb6: {  	_ =	sfence  }
0xb7: {  	s30 =	sld [smem:$0x0];
	_ =	sdelay $0x2  }
0xb8: {  	s31 =	sshll.u32 s1, $0xD;
	s1 =	sshrl.u32 s1, $0x2  }
0xb9: {  	s3 =	sand.u32 $0x4000, s31;
	s1 =	sadd.s32 s1, s30  }
0xba: {  	s0 =	sor.u32 s3, s0;
	s1 =	sshll.u32 s1, $0x11  }
0xbb: {  	s0 =	sor.u32 s1, s0  }
0xbc: {  	s0 =	sadd.s32 $0x8F2B, s0  }
0xbd: {  	[sflag:s0] =	ssyncadd.remote.s32 $0x1  }
0xbe: {  	_ =	sfence.sel $0xFFFF  }
0xbf: {  	[dreg:$0x0] =	wrdreg $0xFFFFFFFF;
	(pc) =	sbr.abs _section_cstart, $3  }
0xc0: {  	[dreg:$0x1] =	wrdreg $0xFFFFFFFF  }
0xc1: {  	_ =	task.clear_ibuf [dreg:s7], $0x2FFFF;
	_ =	strace $0x9FFFFFFF  }
0xc2: {  	(tm) =	ssettm $0x7FFFFFFF  }
0xc3: {  	_ =	shalt  }
tec
execute0_lowered:
.L_overlay_start_1:
0x0: {  	(tag) =	ssettag $0x1  }
0x1: {  	s1 =	srdreg.scid;
	s2 =	rddreg [dreg:$0x0]  }
0x2: {  	s0 =	stileid.u32;
	s5 =	rddreg [dreg:$0x1];
	s6 =	simm.s32 $0x1  }
0x3: {  	s9 =	simm.s32 $0x1;
	s10 =	simm.s32 $0x3;
	s1 =	sshll.u32 s1, $0x8  }
0x4: {  	s13 =	simm.s32 $0x0;
	s3 =	sshll.u32 s0, $0x9;
	s4 =	sand.u32 $0x100, s1  }
0x5: {  	s12 =	simm.s32 $0x0;
	s1 =	rddreg [dreg:$0x2];
	s3 =	sor.u32 s3, s4  }
0x6: {  	_ =	strace $0x80000047;
	s4 =	sadd.s32 $0x40000, s5;
	s8 =	ssub.s32 $0x4000, s3  }
.Ltmp0:
0x7: {  	s5 =	sadd.s32 $0x40800, s5;
	s7 =	sand.u32 $0x1F00, s8;
	(pc) =	sbr.rel .LBB2_1-.Ltmp0, $4  }
0x8: {  	[sflag:s6] =	ssyncpa.u1 $0x0;
	s11 =	smov.u32 s3;
	p0 =	sne.s32 s7, $0x0  }
0x9: {  	s8 =	sshrl.u32 s8, $0xD;
	s7 =	simm.s32 $0x2;
	s9 =	simm.s32 @!p0 $0x0  }
0xa: {  	[sflag:s7] =	ssyncpa.u1 $0x0;
	p0 =	por $0x0, $0x0;
	s8 =	sadd.s32 s9, s8  }
0xb: {  	vm0 =	vmmov $0xffff;
	[sflag:s10] =	ssyncpa.u1 $0x0;
	s10 =	simm.s32 $0x0;
	s9 =	sadd.s32 $0x1, s8  }
.LBB2_4:
0xc: {  	v2 =	vnsel vm1, $0x0, v2  }
0xd: {  	vm1 =	vgt.s32 v0, $0x0;
	v2 =	vmin.u32 v2, $0x3FFF  }
0xe: {  	v0 =	vnsel vm1, $0x0, v0  }
0xf: {  	v0 =	vmin.u32 v0, $0x3FFF  }
0x10: {  	[tilespmem:s15], [sflag:$0x1] =	stream.indirect_vreg.gather [hbm4b:s2+s10], $0x1, v1, vm0, $0x4038;
	[tilespmem:$0x400] =	vst v63  }
0x11: {  	(ifvalue) =	ssetifvalue $0x7FFFFFFF  }
0x12: {  	[tilespmem:s16], [sflag:$0x1] =	stream.indirect_vreg.gather [hbm4b:s2+s10], $0x1, v2, vm0, $0x4038;
	[tilespmem:$0x400] =	vst v63  }
0x13: {  	s29 =	sadd.s32 $0x10, s16;
	(ifvalue) =	ssetifvalue $0x7FFFFFFF  }
0x14: {  	[tilespmem:s29], [sflag:$0x1] =	stream.indirect_vreg.gather [hbm4b:s2+s10], $0x1, v0, vm0, $0x4038;
	[tilespmem:$0x400] =	vst v63  }
0x15: {  	_ =	swait.ge [sflag:s6], $0x100  }
0x16: {  	s30 =	sshrl.u32 s13, $0x3;
	[sflag:s6] =	ssyncset.done $0x0  }
0x17: {  	s31 =	sand.u32 $0x7, s13;
	s15 =	sadd.s32 s5, s30;
	[sflag:s6] =	ssyncadd.s32 $0xFFFFFF00  }
0x18: {  	[hbm4b:s15+s31] =	stream.linear.scatter [tilespmem:s14], [sflag:$0x3], $0x100, $0x38;
	[tilespmem:$0x400] =	vst v63  }
.LBB2_5:
0x19: {  	s15 =	sadd.s32 $0x2000, s11  }
0x1a: {  	p2 =	sgt.s32 s15, $0x3FFF  }
0x1b: {  	s15 =	smov.u32 @p2 s3;
	p2 =	sne.s32 s12, s9  }
.Ltmp1:
0x1c: {  	p1 =	slt.u32 s12, $0x2;
	(pc) =	sbr.rel @!p2 .LBB2_6-.Ltmp1, $4  }
0x1d: {  	s14 =	simm.s32 @!p1 $0x3  }
0x1e: {  	s16 =	sadd.s32 $0x1, s12;
	_ =	swait.ge @!p1 [sflag:s14], $0x100  }
0x1f: {  	s13 =	smov.u32 s11;
	p0 =	por !p0, !p0;
	[sflag:s14] =	ssyncset.done @!p1 $0x0  }
0x20: {  	s12 =	smov.u32 s16;
	s11 =	smov.u32 s15;
	[sflag:s14] =	ssyncadd.s32 @!p1 $0xFFFFFF00  }
.LBB2_1:
0x21: {  	p1 =	sge.u32 s12, s8  }
0x22: {  	s14 =	sxor.u32 @!p1 $0xFFFFFFFF, s12  }
0x23: {  	s31 =	sadd.s32 $0xFFFFFFFF, s12;
	s15 =	sshrl.u32 @!p1 s11, $0x3;
	s14 =	sshll.u32 @!p1 s14, $0x8  }
0x24: {  	s16 =	sand.u32 @!p1 $0x7, s11;
	s15 =	sadd.s32 @!p1 s4, s15;
	s14 =	sand.u32 @!p1 $0x100, s14  }
0x25: {  	[tilespmem:s14], [sflag:$0x2] =	stream.linear.gather @!p1 [hbm4b:s15+s16], $0x100, $0x38;
	[tilespmem:$0x400] =	vst v63  }
0x26: {  	p1 =	sge.u32 s31, s8  }
.Ltmp2:
0x27: {  	_ = 	snop;
	(pc) =	sbr.rel @p1 .LBB2_5-.Ltmp2, $1  }
0x28: {  	_ =	sdelay $0x3  }
0x29: {  	s14 =	simm.s32 $0x1  }
0x2a: {  	_ =	swait.ge [sflag:s7], $0x100;
	s14 =	simm.s32 @!p0 $0x0  }
0x2b: {  	[sflag:s7] =	ssyncset.done $0x0;
	s14 =	sshll.u32 s14, $0x8  }
0x2c: {  	[sflag:s7] =	ssyncadd.s32 $0xFFFFFF00;
	(ifvalue) =	ssetifvalue $0x7FFFFFFF;
	v0 =	vld.msk [tilespmem:s14+$0x0 ss:$0x1], $0xffff;
	_ =	sdelay $0x4  }
0x2d: {  	s15 =	sadd.s32 $0x10, s14;
	vm1 =	vgt.s32 v0, $0x0  }
0x2e: {  	v2 =	vld.msk [tilespmem:s15+$0x0 ss:$0x1], $0xffff;
	v1 =	vnsel vm1, $0x0, v0  }
0x2f: {  	v1 =	vmin.u32 v1, $0x3FFF;
	_ =	sdelay $0x1  }
0x30: {  	s16 =	sshll.u32 s12, $0x8;
	s18 =	simm.s32 $0x20  }
0x31: {  	s16 =	sand.u32 $0x100, s16;
	s17 =	sadd.s32 $0x10, s15;
	s15 =	sor.u32 $0x200, s14  }
0x32: {  	s14 =	sor.u32 $0x200, s16;
	s16 =	sadd.s32 $0x10, s15;
	v0 =	vld.msk [tilespmem:s17+$0x0 ss:$0x1], $0xffff;
	vm1 =	vgt.s32 v2, $0x0;
	(ifvalue) =	ssetifvalue $0x7FFFFFFF  }
.LBB2_3:
0x33: {  	[tilespmem:s15], [sflag:$0x1] =	stream.indirect_vreg.gather [hbm4b:s2+s10], $0x1, v1, vm0, $0x4038;
	[tilespmem:$0x400] =	vst v63  }
0x34: {  	s18 =	sadd.s32 $0x10, s18  }
0x35: {  	v2 =	vnsel vm1, $0x0, v2;
	p1 =	slt.u32 s18, $0xF0  }
.Ltmp3:
0x36: {  	s15 =	smov.u32 s16;
	v1 =	vmin.u32 v2, $0x3FFF;
	(pc) =	sbr.rel @p1 .LBB2_3-.Ltmp3, $3  }
0x37: {  	_ =	sdelay $0x1  }
0x38: {  	s17 =	sadd.s32 $0x10, s17  }
0x39: {  	vm1 =	vgt.s32 v0, $0x0;
	s16 =	sadd.s32 $0x10, s16;
	v2 =	vmov v0;
	(ifvalue) =	ssetifvalue $0x7FFFFFFF;
	v0 =	vld.msk [tilespmem:s17+$0x0 ss:$0x1], $0xffff  }
.Ltmp4:
0x3a: {  	_ = 	snop;
	(pc) =	sbr.rel .LBB2_4-.Ltmp4, $1  }
0x3b: {  	_ =	sdelay $0x3  }
.LBB2_6:
0x3c: {  	_ =	sfence.sel $0x180000  }
0x3d: {  	s2 =	simm.s32 $0x2;
	[bflag:$0x0] =	sbarrier.arrive $0xFFFF  }
0x3e: {  	s30 =	simm.s32 $0x3;
	[sflag:s2] =	ssyncpa.u1 $0x1  }
0x3f: {  	s31 =	simm.s32 $0x1;
	[sflag:s30] =	ssyncpa.u1 $0x1  }
0x40: {  	[sflag:s31] =	ssyncpa.u1 $0x1  }
0x41: {  	p0 =	sne.s32 s0, $0x0;
	_ =	strace $0x90000047  }
0x42: {  	s0 =	sadd.s32 @!p0 $0x100000, s1;
	[bflag:$0x2] =	sbarrier.arrive $0xFFFF  }
0x43: {  	[sflag:s0] =	ssyncadd.tile.s32 @!p0 $0x1;
	_ =	shalt  }
.Lfunc_end2:
_tile_overlayer_lowered:
.L_overlay_start_2:
0x44: {  	(tag) =	ssettag $0x2  }
0x45: {  	s0 =	rddreg [dreg:$0x0];
	s2 =	stileid.u32  }
0x46: {  	s1 =	rddreg [dreg:$0x1];
	p0 =	sne.s32 s2, $0x0  }
0x47: {  	s3 =	rddreg [dreg:$0x2];
	[bflag:$0x3] =	sbarrier.arrive $0xFFFF;
	s2 =	simm.s32 @!p0 $0x1C01  }
0x48: {  	[timem:s3], [sflag:s2] =	dma.local @!p0 [hbm:s0], s1  }
0x49: {  	s0 =	simm.s32 @!p0 $0x1  }
0x4a: {  	_ =	swait.ge @!p0 [sflag:s0], s1  }
0x4b: {  	s1 =	ssub.s32 @!p0 $0x0, s1;
	[sflag:s0] =	ssyncset.done @!p0 $0x0  }
0x4c: {  	[sflag:s0] =	ssyncadd.s32 @!p0 s1  }
0x4d: {  	[bflag:$0x3] =	sbarrier.arrive $0xFFFF  }
0x4e: {  	_ =	shalt  }

// kernel: kernel.3.cloned.1.call-start
scs
__scs_entry_jumppad:
0x0: {  	(pc) =	sbr.rel $0x88, $3  }
0x1: {  	(tag) =	ssettag $0x0;
	lr =	simm.s32 $0x1  }
0x2: {  	[smem:$0x3F9E] =	sst lr;
	_ =	strace $0xD0000000  }
0x3: {  	_ = 	snop  }
0x4: {  	_ = 	snop  }
0x5: {  	_ = 	snop  }
0x6: {  	_ = 	snop  }
0x7: {  	_ = 	snop  }
__scs_overlays_trampoline_lowered:
0x8: {  	[smem:$0x3FAD] =	sst s0  }
0x9: {  	[smem:$0x3FAE] =	sst s1  }
0xa: {  	[smem:$0x3FAF] =	sst s2  }
0xb: {  	[smem:$0x3FB0] =	sst s3  }
0xc: {  	[smem:$0x3FB1] =	sst s4  }
0xd: {  	[smem:$0x3FB2] =	sst s5  }
0xe: {  	[smem:$0x3FB3] =	sst s6  }
0xf: {  	[smem:$0x3FB4] =	sst s7  }
0x10: {  	[smem:$0x3FB5] =	sst s8  }
0x11: {  	[smem:$0x3FB6] =	sst s9;
	s0 =	simm.s32 @!p0 $0x0  }
0x12: {  	s1 =	sld [smem:$0x3F9C];
	s0 =	simm.s32 @p0 $0x1  }
0x13: {  	[smem:$0x3FB7] =	sst s0;
	s0 =	simm.s32 @!p1 $0x0  }
0x14: {  	s2 =	sld [smem:$0x3F9B];
	s0 =	simm.s32 @p1 $0x1  }
0x15: {  	[smem:$0x3FB8] =	sst s0;
	s0 =	simm.s32 @!p2 $0x0  }
0x16: {  	s3 =	sld [smem:$0x3FDB];
	s0 =	simm.s32 @p2 $0x1  }
0x17: {  	s4 =	simm.s32 $0x1BF5;
	[smem:$0x3FBA] =	sst s0  }
0x18: {  	s0 =	sld [smem:$0x3F9D];
	_ =	swait.ge [sflag:s4], $0x0  }
0x19: {  	s7 =	sld [smem:$0x3F9E]  }
0x1a: {  	s8 =	sadd.s32 $0xFFFFE003, lr  }
0x1b: {  	s9 =	sadd.s32 $0xFFFFFEF7, lr;
	s5 =	simm.s32 $0xFFFFFFFF;
	p2 =	slt.u32 s8, $0xFFFFF086  }
0x1c: {  	p1 =	slt.u32 s9, $0xF7A;
	s5 =	simm.s32 @!p2 $0x0  }
0x1d: {  	s5 =	simm.s32 @p1 $0x1;
	p0 =	seq.s32 s7, s2  }
0x1e: {  	s7 =	smul.u32 @!p0 $0xF7A, s2;
	p2 =	seq.s32 @!p0 s5, $0x0  }
0x1f: {  	s9 =	smul.u32 $0xF7A, s1;
	s8 =	simm.s32 @!p0 $0x1BF5;
	p2 =	por !p2, p0  }
0x20: {  	[sflag:s8] =	ssyncset.s32 @!p0 $0xFFFFF086;
	s6 =	sadd.s32 @!p0 s3, s7;
	s7 =	simm.s32 @!p0 $0x108  }
0x21: {  	s3 =	sadd.s32 s3, s9;
	s6 =	sadd.s32 @!p0 $0x88, s6;
	s7 =	simm.s32 @p2 $0x1082  }
0x22: {  	[simem:s7], [sflag:s8] =	dma.local @!p0 [hbm:s6], $0xF7A  }
0x23: {  	s9 =	sor.u32 $0xD0000000, s2;
	s6 =	simm.s32 $0x108;
	_ =	swait.ge @!p0 [sflag:s8], $0x0  }
0x24: {  	s3 =	sadd.s32 $0x88, s3;
	s6 =	simm.s32 @!p1 $0x1082;
	[sflag:s4] =	ssyncset.s32 $0xFFFFF086  }
0x25: {  	[simem:s6], [sflag:s4] =	dma.local [hbm:s3], $0xF7A  }
0x26: {  	[smem:$0x3F9E] =	sst s1;
	(tag) =	ssettag s2;
	_ =	strace s9  }
0x27: {  	s1 =	sld [smem:$0x3FAE]  }
0x28: {  	s2 =	sld [smem:$0x3FAF]  }
0x29: {  	s4 =	sld [smem:$0x3FB1]  }
0x2a: {  	p0 =	seq.s32 s5, $0x0;
	s5 =	sld [smem:$0x3FB2]  }
0x2b: {  	s6 =	sld [smem:$0x3FB3]  }
0x2c: {  	s7 =	sld [smem:$0x3FB4]  }
0x2d: {  	s3 =	simm.s32 $0x108;
	s8 =	sld [smem:$0x3FB5]  }
0x2e: {  	s3 =	simm.s32 @!p0 $0x1082;
	s9 =	sld [smem:$0x3FB6]  }
0x2f: {  	lr =	sadd.s32 s0, s3;
	s0 =	sld [smem:$0x3FAD]  }
0x30: {  	s3 =	sld [smem:$0x3FB0]  }
0x31: {  	[smem:$0x3FB9] =	sst s10  }
0x32: {  	s10 =	sld [smem:$0x3FB7];
	_ =	sdelay $0x3  }
0x33: {  	p0 =	seq.s32 s10, $0x1;
	s10 =	sld [smem:$0x3FB9];
	_ =	sdelay $0x3  }
0x34: {  	[smem:$0x3FB9] =	sst s10  }
0x35: {  	s10 =	sld [smem:$0x3FB8];
	_ =	sdelay $0x3  }
0x36: {  	p1 =	seq.s32 s10, $0x1;
	s10 =	sld [smem:$0x3FB9];
	_ =	sdelay $0x3  }
0x37: {  	[smem:$0x3FB9] =	sst s10  }
0x38: {  	s10 =	sld [smem:$0x3FBA]  }
0x39: {  	_ = 	snop;
	(pc) =	sbr.ind lr, $3  }
0x3a: {  	_ = 	snop  }
0x3b: {  	_ = 	snop  }
0x3c: {  	p2 =	seq.s32 s10, $0x1;
	s10 =	sld [smem:$0x3FB9]  }
0x3d: {  	_ =	shalt  }
0x3e: {  	_ =	shalt  }
0x3f: {  	_ =	shalt  }
0x40: {  	_ =	shalt  }
0x41: {  	_ =	shalt  }
0x42: {  	_ =	shalt  }
0x43: {  	_ =	shalt  }
0x44: {  	_ =	shalt  }
0x45: {  	_ =	shalt  }
0x46: {  	_ =	shalt  }
0x47: {  	_ =	shalt  }
0x48: {  	_ =	shalt  }
0x49: {  	_ =	shalt  }
0x4a: {  	_ =	shalt  }
0x4b: {  	_ =	shalt  }
0x4c: {  	_ =	shalt  }
0x4d: {  	_ =	shalt  }
0x4e: {  	_ =	shalt  }
0x4f: {  	_ =	shalt  }
0x50: {  	_ =	shalt  }
0x51: {  	_ =	shalt  }
0x52: {  	_ =	shalt  }
0x53: {  	_ =	shalt  }
0x54: {  	_ =	shalt  }
0x55: {  	_ =	shalt  }
0x56: {  	_ =	shalt  }
0x57: {  	_ =	shalt  }
0x58: {  	_ =	shalt  }
0x59: {  	_ =	shalt  }
0x5a: {  	_ =	shalt  }
0x5b: {  	_ =	shalt  }
0x5c: {  	_ =	shalt  }
0x5d: {  	_ =	shalt  }
0x5e: {  	_ =	shalt  }
0x5f: {  	_ =	shalt  }
0x60: {  	_ =	shalt  }
0x61: {  	_ =	shalt  }
0x62: {  	_ =	shalt  }
0x63: {  	_ =	shalt  }
0x64: {  	_ =	shalt  }
0x65: {  	_ =	shalt  }
0x66: {  	_ =	shalt  }
0x67: {  	_ =	shalt  }
0x68: {  	_ =	shalt  }
0x69: {  	_ =	shalt  }
0x6a: {  	_ =	shalt  }
0x6b: {  	_ =	shalt  }
0x6c: {  	_ =	shalt  }
0x6d: {  	_ =	shalt  }
0x6e: {  	_ =	shalt  }
0x6f: {  	_ =	shalt  }
0x70: {  	_ =	shalt  }
0x71: {  	_ =	shalt  }
0x72: {  	_ =	shalt  }
0x73: {  	_ =	shalt  }
0x74: {  	_ =	shalt  }
0x75: {  	_ =	shalt  }
0x76: {  	_ =	shalt  }
0x77: {  	_ =	shalt  }
0x78: {  	_ =	shalt  }
0x79: {  	_ =	shalt  }
0x7a: {  	_ =	shalt  }
0x7b: {  	_ =	shalt  }
0x7c: {  	_ =	shalt  }
0x7d: {  	_ =	shalt  }
0x7e: {  	_ =	shalt  }
0x7f: {  	_ =	shalt  }
0x80: {  	_ =	shalt  }
0x81: {  	_ =	shalt  }
0x82: {  	_ =	shalt  }
0x83: {  	_ =	shalt  }
0x84: {  	_ =	shalt  }
0x85: {  	_ =	shalt  }
0x86: {  	_ =	shalt  }
0x87: {  	_ =	shalt  }
.Lfunc_end0:
.L_simem_size_0:
called_computation.2_lowered:
.L_overlay_start_0:
0x88: {  	s2 =	sld [smem:$0x3FD9]  }
0x89: {  	s3 =	sld [smem:$0x3FFE];
	_ =	sdelay $0x1  }
0x8a: {  	s1 =	srdreg.scid  }
0x8b: {  	s0 =	sand.u32 $0x1, s1  }
0x8c: {  	s17 =	sshll.u32 s0, $0xA;
	s2 =	sadd.s32 s3, s2  }
0x8d: {  	s2 =	sadd.s32 s2, s17  }
0x8e: {  	[smem:$0x3FC5] =	sst s2  }
0x8f: {  	_ = 	snop  }
0x90: {  	s2 =	sld [smem:$0x3FC7];
	(tm) =	ssettm $0x1  }
0x91: {  	s18 =	sld [smem:$0x3FFB];
	_ =	sdelay $0x3  }
0x92: {  	_ =	strace s18  }
0x93: {  	s3 =	sld [smem:$0x3FFC];
	_ =	sdelay $0x3  }
0x94: {  	_ =	strace s3  }
0x95: {  	s3 =	sld [smem:$0x3FFD];
	_ =	sdelay $0x3  }
0x96: {  	_ =	strace s3  }
0x97: {  	_ =	strace $0x8FFFFFFF  }
0x98: {  	s19 =	sld [smem:$0x3FDB];
	_ =	sdelay $0x1  }
0x99: {  	s4 =	simm.s32 $_scs_section_size  }
0x9a: {  	s5 =	simm.s32 $_size__tile_overlayer_lowered;
	s6 =	simm.s32 $_tile_overlayer_lowered  }
0x9b: {  	s22 =	simm.s32 $0x1BFF;
	s21 =	sshll.u32 s6, $0x1;
	s3 =	sadd.s32 s4, s19  }
0x9c: {  	s7 =	simm.s32 $0x0;
	s20 =	sshll.u32 s5, $0x1;
	s5 =	sadd.s32 s21, s3  }
0x9d: {  	[timem:s7], [sflag:s22] =	dma.local [hbm:s5], s20  }
0x9e: {  	_ =	swait.ge [sflag:s22], s20  }
0x9f: {  	s4 =	ssub.s32 $0x0, s20;
	[sflag:s22] =	ssyncset.done $0x0  }
0xa0: {  	[sflag:s22] =	ssyncadd.s32 s4;
	_ =	sdelay $0x1  }
0xa1: {  	s23 =	simm.s32 $0x1B8B  }
0xa2: {  	_ =	swait.ge [sflag:s23], $0x1  }
0xa3: {  	[sflag:s23] =	ssyncset.done $0x0  }
0xa4: {  	s25 =	simm.s32 $0x1B8E;
	s24 =	sld [smem:$0x3FFE];
	[sflag:s23] =	ssyncadd.s32 $0xFFFFFFFF  }
0xa5: {  	s26 =	simm.s32 $execute0_lowered;
	[smem:$0x3FD2] =	sst s25  }
0xa6: {  	s5 =	sshll.u32 s26, $0x1;
	_ =	strace $0x8000004C;
	[dreg:$0x1] =	wrdreg $0xFFFFFFFF  }
0xa7: {  	s28 =	simm.s32 $_size_execute0_lowered;
	s3 =	sadd.s32 s3, s5;
	[dreg:$0x0] =	wrdreg $0x0  }
0xa8: {  	s5 =	sshll.u32 s28, $0x1;
	[dreg:$0x2] =	wrdreg s3  }
0xa9: {  	[dreg:$0x3] =	wrdreg s5  }
0xaa: {  	[dreg:$0x4] =	wrdreg $0xC0  }
0xab: {  	_ =	task [dreg:s7], $0x5FFFF  }
0xac: {  	[dreg:$0x1] =	wrdreg $0xFFFFFFFF  }
0xad: {  	[dreg:$0x0] =	wrdreg $0x60  }
0xae: {  	[dreg:$0x2] =	wrdreg s24  }
0xaf: {  	[dreg:$0x3] =	wrdreg s2  }
0xb0: {  	[dreg:$0x4] =	wrdreg $0x9  }
0xb1: {  	_ =	task.clear_ibuf [dreg:s7], $0x5FFFF;
	_ =	strace $0x9000004C  }
0xb2: {  	s29 =	simm.s32 $0x9;
	_ =	strace $0x8000004E  }
0xb3: {  	_ =	swait.ge [sflag:s29], $0x1  }
0xb4: {  	[sflag:s29] =	ssyncadd.s32 $0xFFFFFFFF  }
0xb5: {  	_ =	strace $0x9000004E  }
0xb6: {  	_ =	sfence  }
0xb7: {  	s30 =	sld [smem:$0x0];
	_ =	sdelay $0x2  }
0xb8: {  	s31 =	sshll.u32 s1, $0xD;
	s1 =	sshrl.u32 s1, $0x2  }
0xb9: {  	s3 =	sand.u32 $0x4000, s31;
	s1 =	sadd.s32 s1, s30  }
0xba: {  	s0 =	sor.u32 s3, s0;
	s1 =	sshll.u32 s1, $0x11  }
0xbb: {  	s0 =	sor.u32 s1, s0  }
0xbc: {  	s0 =	sadd.s32 $0x8F2B, s0  }
0xbd: {  	[sflag:s0] =	ssyncadd.remote.s32 $0x1  }
0xbe: {  	_ =	sfence.sel $0xFFFF  }
0xbf: {  	[dreg:$0x0] =	wrdreg $0xFFFFFFFF;
	(pc) =	sbr.abs _section_cstart, $3  }
0xc0: {  	[dreg:$0x1] =	wrdreg $0xFFFFFFFF  }
0xc1: {  	_ =	task.clear_ibuf [dreg:s7], $0x2FFFF;
	_ =	strace $0x9FFFFFFF  }
0xc2: {  	(tm) =	ssettm $0x7FFFFFFF  }
0xc3: {  	_ =	shalt  }
tec
execute0_lowered:
.L_overlay_start_1:
0x0: {  	(tag) =	ssettag $0x1  }
0x1: {  	s7 =	rddreg [dreg:$0x0]  }
0x2: {  	s2 =	rddreg [dreg:$0x1]  }
0x3: {  	s0 =	rddreg [dreg:$0x2];
	s4 =	srdreg.scid  }
0x4: {  	s1 =	stileid.u32;
	s3 =	simm.s32 $0x0;
	s11 =	simm.s32 $0x200  }
0x5: {  	s12 =	simm.s32 $0x400;
	s13 =	simm.s32 $0x600;
	s14 =	simm.s32 $0x18600  }
0x6: {  	s4 =	sand.u32 $0x1, s4;
	s5 =	sshll.u32 s1, $0x1;
	[smem:$0x7FF] =	sst s3  }
0x7: {  	s15 =	simm.s32 $0x0;
	s8 =	sor.u32 s4, s5;
	_ =	strace $0x8000004D  }
0x8: {  	s4 =	ssub.s32 $0x2, s4;
	s5 =	sshll.u32 s8, $0x6;
	s31 =	sshll.u32 s8, $0x4  }
0x9: {  	v0 =	vlaneseq.u32;
	s9 =	sshrl.u32 s4, $0x1;
	s8 =	sshll.u32 s8, $0xC;
	s6 =	sadd.s32 s5, s7  }
0xa: {  	v1 =	vmul.u32 $0x80, v0;
	s10 =	sadd.s32 s31, s7;
	s9 =	ssub.s32 s4, s9;
	s7 =	sadd.s32 s7, s8  }
0xb: {  	v5 =	vimm.f32 $0.0e+00;
	s4 =	sadd.s32 $0x81800, s6;
	s5 =	sadd.s32 $0x40800, s6;
	s6 =	sadd.s32 $0x81000, s6  }
0xc: {  	v2 =	vor.u32 $0x800, v1;
	v3 =	vor.u32 $0x1000, v1;
	v4 =	vor.u32 $0x1800, v1;
	s8 =	sadd.s32 $0x20000, s10;
	s9 =	smax.u32 s9, $0x1;
	s10 =	simm.s32 $0x9  }
.LBB2_1:
0xd: {  	[tilespmem:s3], [sflag:$0x9] =	stream.linear.gather [hbm4b:s4+s3], $0x200, $0x38;
	[tilespmem:$0x18680] =	vst v63  }
0xe: {  	_ =	swait.ge [sflag:s10], $0x200  }
0xf: {  	[sflag:s10] =	ssyncset.done $0x0  }
0x10: {  	[sflag:s10] =	ssyncadd.s32 $0xFFFFFE00  }
0x11: {  	[tilespmem:s11], [sflag:$0x9] =	stream.linear.gather [hbm4b:s5+s3], $0x200, $0x38;
	[tilespmem:$0x18680] =	vst v63  }
0x12: {  	_ =	swait.ge [sflag:s10], $0x200  }
0x13: {  	[sflag:s10] =	ssyncset.done $0x0  }
0x14: {  	[sflag:s10] =	ssyncadd.s32 $0xFFFFFE00  }
0x15: {  	[tilespmem:s12], [sflag:$0x9] =	stream.linear.gather [hbm4b:s6+s3], $0x200, $0x38;
	[tilespmem:$0x18680] =	vst v63  }
0x16: {  	_ =	swait.ge [sflag:s10], $0x200  }
0x17: {  	[sflag:s10] =	ssyncset.done $0x0  }
0x18: {  	[sflag:s10] =	ssyncadd.s32 $0xFFFFFE00  }
0x19: {  	[tilespmem:s13], [sflag:$0x9] =	stream.linear.gather [hbm4b:s7+s3], $0x8000, $0x38;
	[tilespmem:$0x18680] =	vst v63  }
0x1a: {  	_ =	swait.ge [sflag:s10], $0x8000  }
0x1b: {  	[sflag:s10] =	ssyncset.done $0x0  }
0x1c: {  	[sflag:s10] =	ssyncadd.s32 $0xFFFF8000  }
0x1d: {  	v6 =	vld [tilespmem:$0x200];
	_ =	sdelay $0x2  }
0x1e: {  	v7 =	vmov s3  }
0x1f: {  	vm0 =	veq.s32 v7, v0  }
0x20: {  	v6 =	vnsel vm0, $0x0, v6  }
0x21: {  	(xrf0) =	vadd.scan.msk.s32 $0xffff, v6;
	_ =	sdelay $0x5  }
0x22: {  	v6, _, _ =	vpop (xrf0)  }
0x23: {  	(v2sf) =	vpush v6, $0xF;
	_ =	sdelay $0xe  }
0x24: {  	s16 =	spop (v2sf)  }
0x25: {  	p1 =	slt.s32 s16, $0x1  }
0x26: {  	s17 =	sshrl.u32 @!p1 s16, $0xE;
	s16 =	sshll.u32 @!p1 s16, $0xA  }
0x27: {  	s20 =	simm.s32 @!p1 $0x400;
	s19 =	sand.u32 @!p1 $0xFFFC00, s16  }
0x28: {  	s21 =	simm.s32 @!p1 $0x7A1400;
	s18 =	sshll.u32 @!p1 s17, $0xF;
	s19 =	sadd.s32 @!p1 $0xFFFFFC00, s19  }
0x29: {  	s16 =	simm.s32 $0x1;
	s18 =	sshra.s32 @!p1 s18, $0x2;
	s19 =	sshrl.u32 @!p1 s19, $0x3  }
0x2a: {  	s17 =	sadd.s32 @!p1 $0x1, s17;
	s18 =	sadd.s32 @!p1 $0x8600, s18;
	s19 =	sadd.s32 @!p1 s2, s19  }
.LBB2_2:
0x2b: {  	[tilespmem:s18], [sflag:s17] =	stream.strided.gather @!p1 [hbm4b:s19+s20], $0x2000, s21, s20, $0x38;
	[tilespmem:$0x18680] =	vst v63  }
0x2c: {  	s17 =	smov.u32 s16;
	s16 =	sadd.s32 $0x1, s16;
	v6 =	vld [tilespmem:$0x200]  }
0x2d: {  	p0 =	sne.s32 s16, $0x7;
	_ =	sdelay $0x1  }
0x2e: {  	v7 =	vmov s17  }
0x2f: {  	vm0 =	veq.s32 v7, v0  }
0x30: {  	v6 =	vnsel vm0, $0x0, v6  }
0x31: {  	(xrf0) =	vadd.scan.msk.s32 $0xffff, v6;
	_ =	sdelay $0x5  }
0x32: {  	v6, _, _ =	vpop (xrf0)  }
0x33: {  	(v2sf) =	vpush v6, $0xF;
	_ =	sdelay $0xe  }
0x34: {  	s17 =	spop (v2sf)  }
0x35: {  	p1 =	slt.s32 s17, $0x1  }
.Ltmp0:
0x36: {  	s18 =	sshrl.u32 @!p1 s17, $0xE;
	s19 =	sshll.u32 @!p1 s17, $0xA;
	(pc) =	sbr.rel @p0 .LBB2_2-.Ltmp0, $4  }
0x37: {  	s20 =	sshll.u32 @!p1 s18, $0xF;
	s17 =	sadd.s32 @!p1 $0x1, s18;
	s18 =	sand.u32 @!p1 $0xFFFC00, s19  }
0x38: {  	s19 =	sshra.s32 @!p1 s20, $0x2;
	s20 =	sadd.s32 @!p1 $0xFFFFFC00, s18  }
0x39: {  	s18 =	sadd.s32 @!p1 $0x8600, s19;
	s19 =	sshrl.u32 @!p1 s20, $0x3  }
0x3a: {  	s21 =	simm.s32 @!p1 $0x7A1400;
	s20 =	simm.s32 @!p1 $0x400;
	s19 =	sadd.s32 @!p1 s2, s19  }
0x3b: {  	[tilespmem:s18], [sflag:s17] =	stream.strided.gather @!p1 [hbm4b:s19+s20], $0x2000, s21, s20, $0x38;
	[tilespmem:$0x18680] =	vst v63  }
0x3c: {  	s16 =	simm.s32 $0x0  }
0x3d: {  	s26 =	sand.u32 $0x1F0, s16  }
0x3e: {  	v6 =	vld [tilespmem:s26+$0x0]  }
0x3f: {  	v7 =	vld [tilespmem:s26+$0x400]  }
0x40: {  	s16 =	sand.u32 $0xF, s16  }
0x41: {  	v8 =	vmov s16  }
0x42: {  	vm0 =	veq.s32 v8, v0  }
0x43: {  	v6 =	vnsel vm0, $0x0, v6  }
0x44: {  	(xrf0) =	vadd.scan.msk.s32 $0xffff, v6;
	v6 =	vnsel vm0, $0x0, v7  }
0x45: {  	(xrf0) =	vadd.scan.msk.s32 $0xffff, v6;
	_ =	sdelay $0x4  }
0x46: {  	v6, _, _ =	vpop (xrf0)  }
0x47: {  	(v2sf) =	vpush v6, $0xF;
	v6, _, _ =	vpop (xrf0)  }
0x48: {  	(v2sf) =	vpush v6, $0xF;
	_ =	sdelay $0xd  }
0x49: {  	s28 =	spop (v2sf)  }
0x4a: {  	s17 =	spop (v2sf);
	s29 =	sshrl.u32 s28, $0x15  }
0x4b: {  	s30 =	sand.u32 $0x100000, s28;
	s31 =	sand.u32 $0x7F, s28;
	p0 =	slt.s32 s17, $0x1  }
0x4c: {  	s20 =	sshll.u32 @!p0 s17, $0xA;
	s16 =	sshrl.u32 @!p0 s17, $0xE;
	s19 =	simm.s32 @!p0 $0x400  }
0x4d: {  	p1 =	seq.s32 s30, $0x0;
	s22 =	simm.s32 @!p0 $0x7A1400;
	s17 =	sand.u32 @!p0 $0xFFFC00, s20  }
0x4e: {  	s20 =	sand.u32 $0x7, s29;
	s18 =	sshll.u32 @!p0 s16, $0xF;
	s17 =	sadd.s32 @!p0 $0xFFFFFC00, s17  }
0x4f: {  	s16 =	sadd.s32 @!p0 $0x1, s16;
	s18 =	sshra.s32 @!p0 s18, $0x2;
	s17 =	sshrl.u32 @!p0 s17, $0x3  }
0x50: {  	s23 =	sadd.s32 @!p1 $0x1, s20;
	s18 =	sadd.s32 @!p0 $0x8600, s18;
	s17 =	sadd.s32 @!p0 s2, s17  }
0x51: {  	v7 =	vor.u32 s31, v2;
	[tilespmem:s18], [sflag:s16] =	stream.strided.gather @!p0 [hbm4b:s17+s19], $0x2000, s22, s19, $0x38;
	[tilespmem:$0x18680] =	vst v63  }
0x52: {  	v14 =	vor.u32 s31, v3;
	_ =	swait.ge @!p1 [sflag:s23], $0x2000  }
0x53: {  	[sflag:s23] =	ssyncset.done @!p1 $0x0  }
0x54: {  	v13 =	vor.u32 s31, v4;
	s16 =	simm.s32 $0x620;
	[sflag:s23] =	ssyncadd.s32 @!p1 $0xFFFFE000  }
0x55: {  	v9 =	vimm.f32 $0.0e+00;
	v8 =	vimm.f32 $0.0e+00;
	s20 =	sshll.u32 s20, $0xD;
	s18 =	simm.s32 $0x1;
	v11 =	vld [tilespmem:s16+$0x10]  }
0x56: {  	v6 =	vimm.f32 $0.0e+00;
	v12 =	vor.u32 s31, v1;
	s19 =	simm.s32 $0x2;
	s17 =	simm.s32 $0x620;
	s21 =	sand.u32 $0x1F0, s18;
	v10 =	vld.idx.msk [tilespmem:v7+s20+$0x8600], $0xffff;
	v7 =	vimm.f32 $0.0e+00  }
.LBB2_4:
0x57: {  	v14 =	vld.idx.msk [tilespmem:v14+s20+$0x8600], $0xffff;
	s16 =	sadd.s32 $0x40, s16;
	s22 =	smov.u32 s19;
	s19 =	sadd.s32 $0x1, s19  }
0x58: {  	p0 =	sne.s32 s19, $0x200;
	v15 =	vld [tilespmem:s21+$0x0]  }
0x59: {  	v13 =	vld.idx.msk [tilespmem:v13+s20+$0x8600], $0xffff  }
0x5a: {  	s23 =	sand.u32 $0xF, s18;
	s18 =	smov.u32 s22;
	v16 =	vld [tilespmem:s21+$0x400]  }
0x5b: {  	v17 =	vmov s23;
	v12 =	vld.idx.msk [tilespmem:v12+s20+$0x8600], $0xffff  }
0x5c: {  	vm0 =	veq.s32 v17, v0;
	v17 =	vld [tilespmem:s17+$0xFFFFFFE0]  }
0x5d: {  	v15 =	vnsel vm0, $0x0, v15;
	v18 =	vld [tilespmem:s17+$0x0]  }
0x5e: {  	(xrf0) =	vadd.scan.msk.s32 $0xffff, v15;
	v15 =	vld [tilespmem:s17+$0xFFFFFFF0];
	s17 =	smov.u32 s16  }
0x5f: {  	v11 =	vsub.f32 v11, v13  }
0x60: {  	v13 =	vnsel vm0, $0x0, v16  }
0x61: {  	v16 =	vmul.f32 v11, v11;
	(xrf0) =	vadd.scan.msk.s32 $0xffff, v13;
	v12 =	vsub.f32 v17, v12  }
0x62: {  	v13 =	vsub.f32 v18, v14  }
0x63: {  	v6 =	vadd.f32 v16, v6;
	v12 =	vmul.f32 v12, v12;
	v10 =	vsub.f32 v15, v10  }
0x64: {  	v11, _, _ =	vpop (xrf0);
	v13 =	vmul.f32 v13, v13  }
0x65: {  	(v2sf) =	vpush v11, $0xF;
	v9 =	vadd.f32 v12, v9;
	v10 =	vmul.f32 v10, v10  }
0x66: {  	v8 =	vadd.f32 v13, v8  }
0x67: {  	v11, _, _ =	vpop (xrf0);
	v7 =	vadd.f32 v10, v7  }
0x68: {  	(v2sf) =	vpush v11, $0xF;
	_ =	sdelay $0xb  }
0x69: {  	s20 =	spop (v2sf)  }
0x6a: {  	s21 =	sshrl.u32 s20, $0x15;
	s22 =	sand.u32 $0x100000, s20;
	s23 =	sand.u32 $0x7F, s20  }
0x6b: {  	s20 =	sand.u32 $0x7, s21  }
0x6c: {  	s21 =	spop (v2sf)  }
0x6d: {  	p1 =	slt.s32 s21, $0x1  }
0x6e: {  	s24 =	sshrl.u32 @!p1 s21, $0xE;
	s21 =	sshll.u32 @!p1 s21, $0xA  }
0x6f: {  	s25 =	sshll.u32 @!p1 s24, $0xF;
	s24 =	sadd.s32 @!p1 $0x1, s24;
	s21 =	sand.u32 @!p1 $0xFFFC00, s21  }
0x70: {  	s25 =	sshra.s32 @!p1 s25, $0x2;
	s21 =	sadd.s32 @!p1 $0xFFFFFC00, s21  }
0x71: {  	p2 =	seq.s32 s22, $0x0;
	s25 =	sadd.s32 @!p1 $0x8600, s25;
	s21 =	sshrl.u32 @!p1 s21, $0x3  }
0x72: {  	s22 =	simm.s32 @!p1 $0x400;
	s26 =	simm.s32 @!p1 $0x7A1400;
	s21 =	sadd.s32 @!p1 s2, s21  }
0x73: {  	s28 =	sadd.s32 @!p2 $0x1, s20  }
0x74: {  	v10 =	vor.u32 s23, v2;
	[tilespmem:s25], [sflag:s24] =	stream.strided.gather @!p1 [hbm4b:s21+s22], $0x2000, s26, s22, $0x38;
	[tilespmem:$0x18680] =	vst v63  }
.Ltmp1:
0x75: {  	v14 =	vor.u32 s23, v3;
	_ =	swait.ge @!p2 [sflag:s28], $0x2000;
	(pc) =	sbr.rel @p0 .LBB2_4-.Ltmp1, $4  }
0x76: {  	s21 =	sand.u32 $0x1F0, s18;
	[sflag:s28] =	ssyncset.done @!p2 $0x0  }
0x77: {  	v13 =	vor.u32 s23, v4;
	[sflag:s28] =	ssyncadd.s32 @!p2 $0xFFFFE000  }
0x78: {  	s20 =	sshll.u32 s20, $0xD;
	v11 =	vld [tilespmem:s16+$0x10]  }
0x79: {  	v12 =	vor.u32 s23, v1;
	v10 =	vld.idx.msk [tilespmem:v10+s20+$0x8600], $0xffff  }
0x7a: {  	v15 =	vld [tilespmem:s21+$0x0]  }
0x7b: {  	v16 =	vld [tilespmem:s21+$0x400]  }
0x7c: {  	s18 =	sand.u32 $0xF, s18  }
0x7d: {  	v17 =	vmov s18  }
0x7e: {  	vm0 =	veq.s32 v17, v0  }
0x7f: {  	v15 =	vnsel vm0, $0x0, v15  }
0x80: {  	v50 =	vnsel vm0, $0x0, v16;
	(xrf0) =	vadd.scan.msk.s32 $0xffff, v15  }
0x81: {  	(xrf0) =	vadd.scan.msk.s32 $0xffff, v50;
	_ =	sdelay $0x4  }
0x82: {  	v51, _, _ =	vpop (xrf0)  }
0x83: {  	(v2sf) =	vpush v51, $0xF;
	v52, _, _ =	vpop (xrf0)  }
0x84: {  	(v2sf) =	vpush v52, $0xF;
	_ =	sdelay $0xc  }
0x85: {  	v14 =	vld.idx.msk [tilespmem:v14+s20+$0x8600], $0xffff  }
0x86: {  	v13 =	vld.idx.msk [tilespmem:v13+s20+$0x8600], $0xffff;
	s29 =	spop (v2sf)  }
0x87: {  	v12 =	vld.idx.msk [tilespmem:v12+s20+$0x8600], $0xffff;
	s19 =	spop (v2sf);
	s30 =	sshrl.u32 s29, $0x15  }
0x88: {  	v53 =	vld [tilespmem:s17+$0xFFFFFFE0];
	s22 =	sand.u32 $0x100000, s29;
	s18 =	sand.u32 $0x7F, s29;
	p0 =	slt.s32 s19, $0x1  }
0x89: {  	v54 =	vld [tilespmem:s17+$0x0];
	s20 =	sand.u32 $0x7, s30;
	p1 =	seq.s32 s22, $0x0;
	s23 =	sshll.u32 @!p0 s19, $0xA  }
0x8a: {  	v55 =	vld [tilespmem:s17+$0xFFFFFFF0];
	s19 =	sshrl.u32 @!p0 s19, $0xE;
	s17 =	simm.s32 @!p0 $0x400;
	s23 =	sand.u32 @!p0 $0xFFFC00, s23  }
0x8b: {  	s24 =	sadd.s32 @!p1 $0x1, s20;
	s21 =	sshll.u32 @!p0 s19, $0xF;
	s23 =	sadd.s32 @!p0 $0xFFFFFC00, s23  }
0x8c: {  	s19 =	sadd.s32 @!p0 $0x1, s19;
	s21 =	sshra.s32 @!p0 s21, $0x2;
	s23 =	sshrl.u32 @!p0 s23, $0x3  }
0x8d: {  	s21 =	sadd.s32 @!p0 $0x8600, s21;
	s22 =	sadd.s32 @!p0 s2, s23;
	s23 =	simm.s32 @!p0 $0x7A1400  }
0x8e: {  	v18 =	vor.u32 s18, v2;
	[tilespmem:s21], [sflag:s19] =	stream.strided.gather @!p0 [hbm4b:s22+s17], $0x2000, s23, s17, $0x38;
	[tilespmem:$0x18680] =	vst v63  }
0x8f: {  	v19 =	vor.u32 s18, v3;
	_ =	swait.ge @!p1 [sflag:s24], $0x2000  }
0x90: {  	v20 =	vor.u32 s18, v4;
	[sflag:s24] =	ssyncset.done @!p1 $0x0  }
0x91: {  	s16 =	sadd.s32 $0x40, s16;
	v21 =	vor.u32 s18, v1;
	[sflag:s24] =	ssyncadd.s32 @!p1 $0xFFFFE000  }
0x92: {  	s31 =	sshll.u32 s20, $0xD;
	v22 =	vld [tilespmem:s16+$0x10]  }
0x93: {  	v18 =	vld.idx.msk [tilespmem:v18+s31+$0x8600], $0xffff  }
0x94: {  	v19 =	vld.idx.msk [tilespmem:v19+s31+$0x8600], $0xffff  }
0x95: {  	v20 =	vld.idx.msk [tilespmem:v20+s31+$0x8600], $0xffff  }
0x96: {  	v21 =	vld.idx.msk [tilespmem:v21+s31+$0x8600], $0xffff  }
0x97: {  	v23 =	vld [tilespmem:s16+$0xFFFFFFE0]  }
0x98: {  	v11 =	vsub.f32 v11, v13;
	v12 =	vsub.f32 v53, v12;
	v56 =	vld [tilespmem:s16+$0x0]  }
0x99: {  	v57 =	vld [tilespmem:s16+$0xFFFFFFF0]  }
0x9a: {  	v11 =	vmul.f32 v11, v11;
	v12 =	vmul.f32 v12, v12  }
0x9b: {  	v14 =	vsub.f32 v54, v14;
	v10 =	vsub.f32 v55, v10  }
0x9c: {  	v6 =	vadd.f32 v11, v6;
	v9 =	vadd.f32 v12, v9  }
0x9d: {  	v59 =	vmul.f32 v14, v14;
	v58 =	vsub.f32 v22, v20;
	v60 =	vsub.f32 v23, v21  }
0x9e: {  	v10 =	vmul.f32 v10, v10;
	v13 =	vsub.f32 v56, v19;
	v15 =	vsub.f32 v57, v18  }
0x9f: {  	v8 =	vadd.f32 v59, v8;
	v11 =	vmul.f32 v58, v58;
	v61 =	vmul.f32 v60, v60  }
0xa0: {  	v7 =	vadd.f32 v10, v7;
	v62 =	vmul.f32 v13, v13;
	v63 =	vmul.f32 v15, v15  }
0xa1: {  	[tilespmem:$0x18610] =	vst v5;
	v6 =	vadd.f32 v11, v6;
	v9 =	vadd.f32 v61, v9  }
0xa2: {  	[tilespmem:$0x18620] =	vst v5;
	v8 =	vadd.f32 v62, v8;
	v7 =	vadd.f32 v63, v7  }
0xa3: {  	[tilespmem:$0x18630] =	vst v5  }
0xa4: {  	[tilespmem:$0x18640] =	vst v5;
	v7 =	vadd.f32 v7, v9;
	v6 =	vadd.f32 v6, v8  }
0xa5: {  	[tilespmem:$0x18650] =	vst v5  }
0xa6: {  	s15 =	sadd.s32 $0x1, s15;
	[tilespmem:$0x18660] =	vst v5;
	v6 =	vadd.f32 v6, v7  }
0xa7: {  	p0 =	sne.s32 s15, s9;
	[tilespmem:$0x18670] =	vst v5  }
.Ltmp2:
0xa8: {  	[tilespmem:$0x18600] =	vst v6;
	(pc) =	sbr.rel @p0 .LBB2_1-.Ltmp2, $4  }
0xa9: {  	[hbm4b:s8+s3] =	stream.linear.scatter [tilespmem:s14], [sflag:$0x9], $0x80, $0x38;
	[tilespmem:$0x18680] =	vst v63  }
0xaa: {  	_ =	swait.ge [sflag:s10], $0x80  }
0xab: {  	[sflag:s10] =	ssyncset.done $0x0  }
0xac: {  	[sflag:s10] =	ssyncadd.s32 $0xFFFFFF80  }
0xad: {  	_ =	sfence.sel $0x180000  }
0xae: {  	[bflag:$0x0] =	sbarrier.arrive $0xFFFF  }
0xaf: {  	p0 =	sne.s32 s1, $0x0;
	_ =	strace $0x9000004D  }
0xb0: {  	s0 =	sadd.s32 @!p0 $0x100000, s0;
	[bflag:$0x2] =	sbarrier.arrive $0xFFFF  }
0xb1: {  	[sflag:s0] =	ssyncadd.tile.s32 @!p0 $0x1;
	_ =	shalt  }
.Lfunc_end2:
_tile_overlayer_lowered:
.L_overlay_start_2:
0xb2: {  	(tag) =	ssettag $0x2  }
0xb3: {  	s0 =	rddreg [dreg:$0x0];
	s2 =	stileid.u32  }
0xb4: {  	s1 =	rddreg [dreg:$0x1];
	p0 =	sne.s32 s2, $0x0  }
0xb5: {  	s3 =	rddreg [dreg:$0x2];
	[bflag:$0x3] =	sbarrier.arrive $0xFFFF;
	s2 =	simm.s32 @!p0 $0x1C09  }
0xb6: {  	[timem:s3], [sflag:s2] =	dma.local @!p0 [hbm:s0], s1  }
0xb7: {  	s0 =	simm.s32 @!p0 $0x9  }
0xb8: {  	_ =	swait.ge @!p0 [sflag:s0], s1  }
0xb9: {  	s1 =	ssub.s32 @!p0 $0x0, s1;
	[sflag:s0] =	ssyncset.done @!p0 $0x0  }
0xba: {  	[sflag:s0] =	ssyncadd.s32 @!p0 s1  }
0xbb: {  	[bflag:$0x3] =	sbarrier.arrive $0xFFFF  }
0xbc: {  	_ =	shalt  }

</sc_bundles>
